<compile_context>
chip_gen: v7x
topology: tpu7x:2x2x1
jax: 0.10.2.dev20260603
libtpu: 0.0.44.dev20260713+nightly
codegen_flags: <defaults>
</compile_context>

<pallas_src>
import jax
import jax.numpy as jnp
from jax import lax
from jax.experimental import pallas as pl
from jax.experimental.pallas import tpu as pltpu
from jax.experimental.pallas import tpu_sc as plsc

_B = 4096
_L = 200
_DIM = 50
_DGATH = 64
_DWR = 64
_DOUT = 128
_TPAD = 128
_N = _B * _L

_NC = 2
_NS = 16
_NW = _NC * _NS

_IW = 128
_IROWS = _N // _IW
_IROWS_PER_W = _IROWS // _NW
_TILE = 5
_NCHUNK = _IROWS_PER_W // _TILE
_NE = _NCHUNK // 2
_CHUNK = _TILE * _IW


def _sc_body(idx_hbm, table_hbm, out_hbm,
             idx0, idx1, rows0, rows1,
             s_i0, s_i1, s_g0, s_g1, s_o0, s_o1):
    wid = lax.axis_index("s") * _NC + lax.axis_index("c")
    base = wid * _IROWS_PER_W
    idx_bufs = (idx0, idx1)
    row_bufs = (rows0, rows1)
    s_i = (s_i0, s_i1)
    s_g = (s_g0, s_g1)
    s_o = (s_o0, s_o1)

    def idx_copy(i, b, s):
        return pltpu.make_async_copy(
            idx_hbm.at[pl.ds(base + i * _TILE, _TILE)], idx_bufs[b], s
        )

    def out_copy(i, b, s):
        return pltpu.make_async_copy(
            row_bufs[b].at[:, pl.ds(0, _DWR)],
            out_hbm.at[pl.ds((base + i * _TILE) * _IW, _CHUNK),
                       pl.ds(0, _DWR)],
            s,
        )

    def gathers(i, b, start):
        for j in range(_TILE):
            d = pltpu.make_async_copy(
                table_hbm.at[idx_bufs[b].at[j]],
                row_bufs[b].at[pl.ds(j * _IW, _IW)],
                s_g[b],
            )
            d.start() if start else d.wait()

    idx_copy(0, 0, s_i[0]).start()
    idx_copy(1, 1, s_i[1]).start()
    idx_copy(0, 0, s_i[0]).wait()
    gathers(0, 0, True)

    def epoch(e, carry):
        for b in range(2):
            i = 2 * e + b
            gathers(i, b, False)
            out_copy(i, b, s_o[b]).start()

            def tail(i=i, b=b):
                idx_copy(i + 1, 1 - b, s_i[1 - b]).wait()
                @pl.when(i > 0)
                def _():
                    out_copy(i - 1, 1 - b, s_o[1 - b]).wait()

                @pl.when(e < _NE - 1)
                def _():
                    idx_copy(i + 2, b, s_i[b]).start()

                gathers(i + 1, 1 - b, True)

            if b == 0:
                tail()
            else:
                pl.when(e < _NE - 1)(tail)
        return carry

    lax.fori_loop(0, _NE, epoch, 0)
    out_copy(_NCHUNK - 2, 0, s_o[0]).wait()
    out_copy(_NCHUNK - 1, 1, s_o[1]).wait()


@jax.jit
def _sc_gather(idx2d, table_pad2):
    fn = pl.kernel(
        _sc_body,
        mesh=plsc.VectorSubcoreMesh(core_axis_name="c", subcore_axis_name="s"),
        out_type=jax.ShapeDtypeStruct((_N, _DOUT), jnp.float32),
        scratch_types=[
            pltpu.VMEM((_TILE, _IW), jnp.int32),
            pltpu.VMEM((_TILE, _IW), jnp.int32),
            pltpu.VMEM((_CHUNK, _DGATH), jnp.float32),
            pltpu.VMEM((_CHUNK, _DGATH), jnp.float32),
            pltpu.SemaphoreType.DMA,
            pltpu.SemaphoreType.DMA,
            pltpu.SemaphoreType.DMA,
            pltpu.SemaphoreType.DMA,
            pltpu.SemaphoreType.DMA,
            pltpu.SemaphoreType.DMA,
        ],
        compiler_params=pltpu.CompilerParams(use_tc_tiling_on_sc=False),
    )
    return fn(idx2d, table_pad2)


def kernel(indices, table):
    idx2d = indices.reshape(_IROWS, _IW).astype(jnp.int32) * 2
    table_pad2 = jnp.pad(table, ((0, 0), (0, _TPAD - _DIM))).reshape(
        2 * 400000, _DGATH
    )
    out = _sc_gather(idx2d, table_pad2)
    return out[:, :_DIM].reshape(_B, _L, _DIM)

# --- scband reference (transcript-rebuilt; emitter-appended) ---
"""Pipeline reference for scband-encoder-embedding-20040317403757 (READ-ONLY COPY).

The authoritative reference and input builder live on the scoring server;
editing this copy changes nothing except your own understanding.
"""

import jax, jax.numpy as jnp
import numpy as np

VOCAB = 400000
DIM = 50
B = 4096
L = 200


def setup_inputs(seed: int = 0) -> dict:
    key = jax.random.key(seed)
    k1, k2 = jax.random.split(key)
    indices = jax.random.randint(k1, (B, L), 0, VOCAB)
    # Embedding table (GloVe-initialized in the original; random here).
    table = jax.random.normal(k2, (VOCAB, DIM), dtype=jnp.float32)
    # padding_idx=0 -> row 0 is zeros
    table = table.at[0].set(0.0)
    return {"indices": indices, "table": table}


def reference(indices, table):
    # EncoderEmbedding.forward: output = self.embeddings(indices)
    # B x SEQ_LEN -> B x SEQ_LEN x 50
    return jnp.take(table, indices, axis=0)

if __name__ == "__main__":
    import jax
    _d = setup_inputs()
    print(jax.jit(kernel)(*tuple(_d.values())))

</pallas_src>

<mosaic_0001>
#map = affine_map<(d0, d1) -> (0, 0)>
module attributes {stable_mosaic.version = 14 : i64} {
  func.func @_sc_body(%arg0: i32, %arg1: i32, %arg2: memref<6400x128xi32, #tpu.memory_space<hbm>>, %arg3: memref<800000x64xf32, #tpu.memory_space<hbm>>, %arg4: memref<819200x128xf32, #tpu.memory_space<hbm>>, %arg5: memref<5x128xi32, #tpu.memory_space<vmem>>, %arg6: memref<5x128xi32, #tpu.memory_space<vmem>>, %arg7: memref<640x64xf32, #tpu.memory_space<vmem>>, %arg8: memref<640x64xf32, #tpu.memory_space<vmem>>, %arg9: memref<!tpu.dma_semaphore, #tpu.memory_space<semaphore_mem>>, %arg10: memref<!tpu.dma_semaphore, #tpu.memory_space<semaphore_mem>>, %arg11: memref<!tpu.dma_semaphore, #tpu.memory_space<semaphore_mem>>, %arg12: memref<!tpu.dma_semaphore, #tpu.memory_space<semaphore_mem>>, %arg13: memref<!tpu.dma_semaphore, #tpu.memory_space<semaphore_mem>>, %arg14: memref<!tpu.dma_semaphore, #tpu.memory_space<semaphore_mem>>) attributes {dimension_semantics = [#tpu.dimension_semantics<core_parallel>, #tpu.dimension_semantics<subcore_parallel>], iteration_bounds = array<i64: 2, 16>, scalar_prefetch = 0 : i64, scratch_operands = 10 : i64, tpu.core_type = #tpu.core_type<sc_vector_subcore>, window_params = [{transform_indices = #map}, {transform_indices = #map}, {transform_indices = #map}]} {
    %mul3A = arith.constant 2 : i32
    %mul3A_0 = arith.muli %arg1, %mul3A : i32
    %add3A = arith.addi %mul3A_0, %arg0 : i32
    %mul3A_1 = arith.constant 200 : i32
    %mul3A_2 = arith.muli %add3A, %mul3A_1 : i32
    %add3A_3 = arith.constant 0 : i32
    %add3A_4 = arith.addi %mul3A_2, %add3A_3 : i32
    %dma_start3A = arith.constant 0 : i32
    %dma_start3A_5 = tpu.memref_slice %arg2[%add3A_4, %dma_start3A] : memref<6400x128xi32, #tpu.memory_space<hbm>> -> memref<5x128xi32, #tpu.memory_space<hbm>>
    %dma_start3A_6 = arith.constant 0 : i32
    %dma_start3A_7 = tpu.memref_slice %arg2[%add3A_4, %dma_start3A_6] : memref<6400x128xi32, #tpu.memory_space<hbm>> -> memref<5x128xi32, #tpu.memory_space<hbm>>
    tpu.enqueue_dma source(%dma_start3A_7 : memref<5x128xi32, #tpu.memory_space<hbm>>) target(%arg5 : memref<5x128xi32, #tpu.memory_space<vmem>>) target_semaphore(%arg9 : memref<!tpu.dma_semaphore, #tpu.memory_space<semaphore_mem>>)
    %add3A_8 = arith.constant 5 : i32
    %add3A_9 = arith.addi %mul3A_2, %add3A_8 : i32
    %dma_start3A_10 = arith.constant 0 : i32
    %dma_start3A_11 = tpu.memref_slice %arg2[%add3A_9, %dma_start3A_10] : memref<6400x128xi32, #tpu.memory_space<hbm>> -> memref<5x128xi32, #tpu.memory_space<hbm>>
    %dma_start3A_12 = arith.constant 0 : i32
    %dma_start3A_13 = tpu.memref_slice %arg2[%add3A_9, %dma_start3A_12] : memref<6400x128xi32, #tpu.memory_space<hbm>> -> memref<5x128xi32, #tpu.memory_space<hbm>>
    tpu.enqueue_dma source(%dma_start3A_13 : memref<5x128xi32, #tpu.memory_space<hbm>>) target(%arg6 : memref<5x128xi32, #tpu.memory_space<vmem>>) target_semaphore(%arg10 : memref<!tpu.dma_semaphore, #tpu.memory_space<semaphore_mem>>)
    %add3A_14 = arith.constant 0 : i32
    %add3A_15 = arith.addi %mul3A_2, %add3A_14 : i32
    %dma_wait3A = arith.constant 0 : i32
    %dma_wait3A_16 = tpu.memref_slice %arg2[%add3A_15, %dma_wait3A] : memref<6400x128xi32, #tpu.memory_space<hbm>> -> memref<5x128xi32, #tpu.memory_space<hbm>>
    %dma_wait3A_17 = arith.constant 0 : i32
    %dma_wait3A_18 = tpu.memref_slice %arg2[%add3A_15, %dma_wait3A_17] : memref<6400x128xi32, #tpu.memory_space<hbm>> -> memref<5x128xi32, #tpu.memory_space<hbm>>
    tpu.wait_dma2 semaphore(%arg9 : memref<!tpu.dma_semaphore, #tpu.memory_space<semaphore_mem>>) src(%dma_wait3A_18 : memref<5x128xi32, #tpu.memory_space<hbm>>) dst(%arg5 : memref<5x128xi32, #tpu.memory_space<vmem>>)
    %dma_start3A_19 = arith.constant 0 : i32
    %dma_start3A_20 = arith.constant 0 : i32
    %dma_start3A_21 = arith.constant 0 : i32
    %dma_start3A_22 = tpu.memref_slice %arg7[%dma_start3A_20, %dma_start3A_21] : memref<640x64xf32, #tpu.memory_space<vmem>> -> memref<128x64xf32, #tpu.memory_space<vmem>>
    %dma_start3A_23 = arith.constant 0 : i32
    %dma_start3A_24 = tpu.memref_slice %arg5[%dma_start3A_19, %dma_start3A_23] : memref<5x128xi32, #tpu.memory_space<vmem>> -> memref<1x128xi32, #tpu.memory_space<vmem>>
    %dma_start3A_25 = tpu.memref_squeeze %dma_start3A_24 : memref<1x128xi32, #tpu.memory_space<vmem>> -> memref<128xi32, #tpu.memory_space<vmem>>
    %dma_start3A_26 = arith.constant 0 : i32
    %dma_start3A_27 = arith.constant 0 : i32
    %dma_start3A_28 = tpu.memref_slice %arg3[%dma_start3A_26, %dma_start3A_27] : memref<800000x64xf32, #tpu.memory_space<hbm>> -> memref<800000x64xf32, #tpu.memory_space<hbm>>
    tpu.enqueue_indirect_dma source(%dma_start3A_28 : memref<800000x64xf32, #tpu.memory_space<hbm>>) target(%dma_start3A_22 : memref<128x64xf32, #tpu.memory_space<vmem>>) offsets(%dma_start3A_25 : memref<128xi32, #tpu.memory_space<vmem>>) semaphore(%arg11 : memref<!tpu.dma_semaphore, #tpu.memory_space<semaphore_mem>>)
    %dma_start3A_29 = arith.constant 1 : i32
    %dma_start3A_30 = arith.constant 128 : i32
    %dma_start3A_31 = arith.constant 0 : i32
    %dma_start3A_32 = tpu.memref_slice %arg7[%dma_start3A_30, %dma_start3A_31] : memref<640x64xf32, #tpu.memory_space<vmem>> -> memref<128x64xf32, #tpu.memory_space<vmem>>
    %dma_start3A_33 = arith.constant 0 : i32
    %dma_start3A_34 = tpu.memref_slice %arg5[%dma_start3A_29, %dma_start3A_33] : memref<5x128xi32, #tpu.memory_space<vmem>> -> memref<1x128xi32, #tpu.memory_space<vmem>>
    %dma_start3A_35 = tpu.memref_squeeze %dma_start3A_34 : memref<1x128xi32, #tpu.memory_space<vmem>> -> memref<128xi32, #tpu.memory_space<vmem>>
    %dma_start3A_36 = arith.constant 0 : i32
    %dma_start3A_37 = arith.constant 0 : i32
    %dma_start3A_38 = tpu.memref_slice %arg3[%dma_start3A_36, %dma_start3A_37] : memref<800000x64xf32, #tpu.memory_space<hbm>> -> memref<800000x64xf32, #tpu.memory_space<hbm>>
    tpu.enqueue_indirect_dma source(%dma_start3A_38 : memref<800000x64xf32, #tpu.memory_space<hbm>>) target(%dma_start3A_32 : memref<128x64xf32, #tpu.memory_space<vmem>>) offsets(%dma_start3A_35 : memref<128xi32, #tpu.memory_space<vmem>>) semaphore(%arg11 : memref<!tpu.dma_semaphore, #tpu.memory_space<semaphore_mem>>)
    %dma_start3A_39 = arith.constant 2 : i32
    %dma_start3A_40 = arith.constant 256 : i32
    %dma_start3A_41 = arith.constant 0 : i32
    %dma_start3A_42 = tpu.memref_slice %arg7[%dma_start3A_40, %dma_start3A_41] : memref<640x64xf32, #tpu.memory_space<vmem>> -> memref<128x64xf32, #tpu.memory_space<vmem>>
    %dma_start3A_43 = arith.constant 0 : i32
    %dma_start3A_44 = tpu.memref_slice %arg5[%dma_start3A_39, %dma_start3A_43] : memref<5x128xi32, #tpu.memory_space<vmem>> -> memref<1x128xi32, #tpu.memory_space<vmem>>
    %dma_start3A_45 = tpu.memref_squeeze %dma_start3A_44 : memref<1x128xi32, #tpu.memory_space<vmem>> -> memref<128xi32, #tpu.memory_space<vmem>>
    %dma_start3A_46 = arith.constant 0 : i32
    %dma_start3A_47 = arith.constant 0 : i32
    %dma_start3A_48 = tpu.memref_slice %arg3[%dma_start3A_46, %dma_start3A_47] : memref<800000x64xf32, #tpu.memory_space<hbm>> -> memref<800000x64xf32, #tpu.memory_space<hbm>>
    tpu.enqueue_indirect_dma source(%dma_start3A_48 : memref<800000x64xf32, #tpu.memory_space<hbm>>) target(%dma_start3A_42 : memref<128x64xf32, #tpu.memory_space<vmem>>) offsets(%dma_start3A_45 : memref<128xi32, #tpu.memory_space<vmem>>) semaphore(%arg11 : memref<!tpu.dma_semaphore, #tpu.memory_space<semaphore_mem>>)
    %dma_start3A_49 = arith.constant 3 : i32
    %dma_start3A_50 = arith.constant 384 : i32
    %dma_start3A_51 = arith.constant 0 : i32
    %dma_start3A_52 = tpu.memref_slice %arg7[%dma_start3A_50, %dma_start3A_51] : memref<640x64xf32, #tpu.memory_space<vmem>> -> memref<128x64xf32, #tpu.memory_space<vmem>>
    %dma_start3A_53 = arith.constant 0 : i32
    %dma_start3A_54 = tpu.memref_slice %arg5[%dma_start3A_49, %dma_start3A_53] : memref<5x128xi32, #tpu.memory_space<vmem>> -> memref<1x128xi32, #tpu.memory_space<vmem>>
    %dma_start3A_55 = tpu.memref_squeeze %dma_start3A_54 : memref<1x128xi32, #tpu.memory_space<vmem>> -> memref<128xi32, #tpu.memory_space<vmem>>
    %dma_start3A_56 = arith.constant 0 : i32
    %dma_start3A_57 = arith.constant 0 : i32
    %dma_start3A_58 = tpu.memref_slice %arg3[%dma_start3A_56, %dma_start3A_57] : memref<800000x64xf32, #tpu.memory_space<hbm>> -> memref<800000x64xf32, #tpu.memory_space<hbm>>
    tpu.enqueue_indirect_dma source(%dma_start3A_58 : memref<800000x64xf32, #tpu.memory_space<hbm>>) target(%dma_start3A_52 : memref<128x64xf32, #tpu.memory_space<vmem>>) offsets(%dma_start3A_55 : memref<128xi32, #tpu.memory_space<vmem>>) semaphore(%arg11 : memref<!tpu.dma_semaphore, #tpu.memory_space<semaphore_mem>>)
    %dma_start3A_59 = arith.constant 4 : i32
    %dma_start3A_60 = arith.constant 512 : i32
    %dma_start3A_61 = arith.constant 0 : i32
    %dma_start3A_62 = tpu.memref_slice %arg7[%dma_start3A_60, %dma_start3A_61] : memref<640x64xf32, #tpu.memory_space<vmem>> -> memref<128x64xf32, #tpu.memory_space<vmem>>
    %dma_start3A_63 = arith.constant 0 : i32
    %dma_start3A_64 = tpu.memref_slice %arg5[%dma_start3A_59, %dma_start3A_63] : memref<5x128xi32, #tpu.memory_space<vmem>> -> memref<1x128xi32, #tpu.memory_space<vmem>>
    %dma_start3A_65 = tpu.memref_squeeze %dma_start3A_64 : memref<1x128xi32, #tpu.memory_space<vmem>> -> memref<128xi32, #tpu.memory_space<vmem>>
    %dma_start3A_66 = arith.constant 0 : i32
    %dma_start3A_67 = arith.constant 0 : i32
    %dma_start3A_68 = tpu.memref_slice %arg3[%dma_start3A_66, %dma_start3A_67] : memref<800000x64xf32, #tpu.memory_space<hbm>> -> memref<800000x64xf32, #tpu.memory_space<hbm>>
    tpu.enqueue_indirect_dma source(%dma_start3A_68 : memref<800000x64xf32, #tpu.memory_space<hbm>>) target(%dma_start3A_62 : memref<128x64xf32, #tpu.memory_space<vmem>>) offsets(%dma_start3A_65 : memref<128xi32, #tpu.memory_space<vmem>>) semaphore(%arg11 : memref<!tpu.dma_semaphore, #tpu.memory_space<semaphore_mem>>)
    %scan3A = arith.constant 0 : i32
    %scan3A_69 = arith.constant 0 : i32
    %scan3A_70 = arith.constant 20 : i32
    %scan3A_71 = arith.addi %scan3A_69, %scan3A_70 : i32
    %scan3A_72 = arith.constant 1 : i32
    scf.for %scan3A_102 = %scan3A_69 to %scan3A_71 step %scan3A_72  : i32 {
      %mul3A_103 = arith.constant 2 : i32
      %mul3A_104 = arith.muli %mul3A_103, %scan3A_102 : i32
      %add3A_105 = arith.constant 0 : i32
      %add3A_106 = arith.addi %mul3A_104, %add3A_105 : i32
      %dma_wait3A_107 = arith.constant 0 : i32
      %dma_wait3A_108 = arith.constant 0 : i32
      %dma_wait3A_109 = arith.constant 0 : i32
      %dma_wait3A_110 = tpu.memref_slice %arg7[%dma_wait3A_108, %dma_wait3A_109] : memref<640x64xf32, #tpu.memory_space<vmem>> -> memref<128x64xf32, #tpu.memory_space<vmem>>
      %dma_wait3A_111 = arith.constant 0 : i32
      %dma_wait3A_112 = tpu.memref_slice %arg5[%dma_wait3A_107, %dma_wait3A_111] : memref<5x128xi32, #tpu.memory_space<vmem>> -> memref<1x128xi32, #tpu.memory_space<vmem>>
      %dma_wait3A_113 = tpu.memref_squeeze %dma_wait3A_112 : memref<1x128xi32, #tpu.memory_space<vmem>> -> memref<128xi32, #tpu.memory_space<vmem>>
      %dma_wait3A_114 = arith.constant 0 : i32
      %dma_wait3A_115 = arith.constant 0 : i32
      %dma_wait3A_116 = tpu.memref_slice %arg3[%dma_wait3A_114, %dma_wait3A_115] : memref<800000x64xf32, #tpu.memory_space<hbm>> -> memref<800000x64xf32, #tpu.memory_space<hbm>>
      tpu.wait_indirect_dma semaphore(%arg11 : memref<!tpu.dma_semaphore, #tpu.memory_space<semaphore_mem>>) src(%dma_wait3A_116 : memref<800000x64xf32, #tpu.memory_space<hbm>>) dst(%dma_wait3A_110 : memref<128x64xf32, #tpu.memory_space<vmem>>)
      %dma_wait3A_117 = arith.constant 1 : i32
      %dma_wait3A_118 = arith.constant 128 : i32
      %dma_wait3A_119 = arith.constant 0 : i32
      %dma_wait3A_120 = tpu.memref_slice %arg7[%dma_wait3A_118, %dma_wait3A_119] : memref<640x64xf32, #tpu.memory_space<vmem>> -> memref<128x64xf32, #tpu.memory_space<vmem>>
      %dma_wait3A_121 = arith.constant 0 : i32
      %dma_wait3A_122 = tpu.memref_slice %arg5[%dma_wait3A_117, %dma_wait3A_121] : memref<5x128xi32, #tpu.memory_space<vmem>> -> memref<1x128xi32, #tpu.memory_space<vmem>>
      %dma_wait3A_123 = tpu.memref_squeeze %dma_wait3A_122 : memref<1x128xi32, #tpu.memory_space<vmem>> -> memref<128xi32, #tpu.memory_space<vmem>>
      %dma_wait3A_124 = arith.constant 0 : i32
      %dma_wait3A_125 = arith.constant 0 : i32
      %dma_wait3A_126 = tpu.memref_slice %arg3[%dma_wait3A_124, %dma_wait3A_125] : memref<800000x64xf32, #tpu.memory_space<hbm>> -> memref<800000x64xf32, #tpu.memory_space<hbm>>
      tpu.wait_indirect_dma semaphore(%arg11 : memref<!tpu.dma_semaphore, #tpu.memory_space<semaphore_mem>>) src(%dma_wait3A_126 : memref<800000x64xf32, #tpu.memory_space<hbm>>) dst(%dma_wait3A_120 : memref<128x64xf32, #tpu.memory_space<vmem>>)
      %dma_wait3A_127 = arith.constant 2 : i32
      %dma_wait3A_128 = arith.constant 256 : i32
      %dma_wait3A_129 = arith.constant 0 : i32
      %dma_wait3A_130 = tpu.memref_slice %arg7[%dma_wait3A_128, %dma_wait3A_129] : memref<640x64xf32, #tpu.memory_space<vmem>> -> memref<128x64xf32, #tpu.memory_space<vmem>>
      %dma_wait3A_131 = arith.constant 0 : i32
      %dma_wait3A_132 = tpu.memref_slice %arg5[%dma_wait3A_127, %dma_wait3A_131] : memref<5x128xi32, #tpu.memory_space<vmem>> -> memref<1x128xi32, #tpu.memory_space<vmem>>
      %dma_wait3A_133 = tpu.memref_squeeze %dma_wait3A_132 : memref<1x128xi32, #tpu.memory_space<vmem>> -> memref<128xi32, #tpu.memory_space<vmem>>
      %dma_wait3A_134 = arith.constant 0 : i32
      %dma_wait3A_135 = arith.constant 0 : i32
      %dma_wait3A_136 = tpu.memref_slice %arg3[%dma_wait3A_134, %dma_wait3A_135] : memref<800000x64xf32, #tpu.memory_space<hbm>> -> memref<800000x64xf32, #tpu.memory_space<hbm>>
      tpu.wait_indirect_dma semaphore(%arg11 : memref<!tpu.dma_semaphore, #tpu.memory_space<semaphore_mem>>) src(%dma_wait3A_136 : memref<800000x64xf32, #tpu.memory_space<hbm>>) dst(%dma_wait3A_130 : memref<128x64xf32, #tpu.memory_space<vmem>>)
      %dma_wait3A_137 = arith.constant 3 : i32
      %dma_wait3A_138 = arith.constant 384 : i32
      %dma_wait3A_139 = arith.constant 0 : i32
      %dma_wait3A_140 = tpu.memref_slice %arg7[%dma_wait3A_138, %dma_wait3A_139] : memref<640x64xf32, #tpu.memory_space<vmem>> -> memref<128x64xf32, #tpu.memory_space<vmem>>
      %dma_wait3A_141 = arith.constant 0 : i32
      %dma_wait3A_142 = tpu.memref_slice %arg5[%dma_wait3A_137, %dma_wait3A_141] : memref<5x128xi32, #tpu.memory_space<vmem>> -> memref<1x128xi32, #tpu.memory_space<vmem>>
      %dma_wait3A_143 = tpu.memref_squeeze %dma_wait3A_142 : memref<1x128xi32, #tpu.memory_space<vmem>> -> memref<128xi32, #tpu.memory_space<vmem>>
      %dma_wait3A_144 = arith.constant 0 : i32
      %dma_wait3A_145 = arith.constant 0 : i32
      %dma_wait3A_146 = tpu.memref_slice %arg3[%dma_wait3A_144, %dma_wait3A_145] : memref<800000x64xf32, #tpu.memory_space<hbm>> -> memref<800000x64xf32, #tpu.memory_space<hbm>>
      tpu.wait_indirect_dma semaphore(%arg11 : memref<!tpu.dma_semaphore, #tpu.memory_space<semaphore_mem>>) src(%dma_wait3A_146 : memref<800000x64xf32, #tpu.memory_space<hbm>>) dst(%dma_wait3A_140 : memref<128x64xf32, #tpu.memory_space<vmem>>)
      %dma_wait3A_147 = arith.constant 4 : i32
      %dma_wait3A_148 = arith.constant 512 : i32
      %dma_wait3A_149 = arith.constant 0 : i32
      %dma_wait3A_150 = tpu.memref_slice %arg7[%dma_wait3A_148, %dma_wait3A_149] : memref<640x64xf32, #tpu.memory_space<vmem>> -> memref<128x64xf32, #tpu.memory_space<vmem>>
      %dma_wait3A_151 = arith.constant 0 : i32
      %dma_wait3A_152 = tpu.memref_slice %arg5[%dma_wait3A_147, %dma_wait3A_151] : memref<5x128xi32, #tpu.memory_space<vmem>> -> memref<1x128xi32, #tpu.memory_space<vmem>>
      %dma_wait3A_153 = tpu.memref_squeeze %dma_wait3A_152 : memref<1x128xi32, #tpu.memory_space<vmem>> -> memref<128xi32, #tpu.memory_space<vmem>>
      %dma_wait3A_154 = arith.constant 0 : i32
      %dma_wait3A_155 = arith.constant 0 : i32
      %dma_wait3A_156 = tpu.memref_slice %arg3[%dma_wait3A_154, %dma_wait3A_155] : memref<800000x64xf32, #tpu.memory_space<hbm>> -> memref<800000x64xf32, #tpu.memory_space<hbm>>
      tpu.wait_indirect_dma semaphore(%arg11 : memref<!tpu.dma_semaphore, #tpu.memory_space<semaphore_mem>>) src(%dma_wait3A_156 : memref<800000x64xf32, #tpu.memory_space<hbm>>) dst(%dma_wait3A_150 : memref<128x64xf32, #tpu.memory_space<vmem>>)
      %mul3A_157 = arith.constant 5 : i32
      %mul3A_158 = arith.muli %add3A_106, %mul3A_157 : i32
      %add3A_159 = arith.addi %mul3A_2, %mul3A_158 : i32
      %mul3A_160 = arith.constant 128 : i32
      %mul3A_161 = arith.muli %add3A_159, %mul3A_160 : i32
      %dma_start3A_162 = arith.constant 0 : i32
      %dma_start3A_163 = arith.constant 0 : i32
      %dma_start3A_164 = tpu.memref_slice %arg7[%dma_start3A_162, %dma_start3A_163] : memref<640x64xf32, #tpu.memory_space<vmem>> -> memref<640x64xf32, #tpu.memory_space<vmem>>
      %dma_start3A_165 = arith.constant 0 : i32
      %dma_start3A_166 = tpu.memref_slice %arg4[%mul3A_161, %dma_start3A_165] : memref<819200x128xf32, #tpu.memory_space<hbm>> -> memref<640x64xf32, #tpu.memory_space<hbm>>
      %dma_start3A_167 = arith.constant 0 : i32
      %dma_start3A_168 = tpu.memref_slice %arg4[%mul3A_161, %dma_start3A_167] : memref<819200x128xf32, #tpu.memory_space<hbm>> -> memref<640x64xf32, #tpu.memory_space<hbm>>
      %dma_start3A_169 = arith.constant 0 : i32
      %dma_start3A_170 = arith.constant 0 : i32
      %dma_start3A_171 = tpu.memref_slice %arg7[%dma_start3A_169, %dma_start3A_170] : memref<640x64xf32, #tpu.memory_space<vmem>> -> memref<640x64xf32, #tpu.memory_space<vmem>>
      tpu.enqueue_dma source(%dma_start3A_171 : memref<640x64xf32, #tpu.memory_space<vmem>>) target(%dma_start3A_168 : memref<640x64xf32, #tpu.memory_space<hbm>>) target_semaphore(%arg13 : memref<!tpu.dma_semaphore, #tpu.memory_space<semaphore_mem>>)
      %add3A_172 = arith.constant 1 : i32
      %add3A_173 = arith.addi %add3A_106, %add3A_172 : i32
      %mul3A_174 = arith.constant 5 : i32
      %mul3A_175 = arith.muli %add3A_173, %mul3A_174 : i32
      %add3A_176 = arith.addi %mul3A_2, %mul3A_175 : i32
      %dma_wait3A_177 = arith.constant 0 : i32
      %dma_wait3A_178 = tpu.memref_slice %arg2[%add3A_176, %dma_wait3A_177] : memref<6400x128xi32, #tpu.memory_space<hbm>> -> memref<5x128xi32, #tpu.memory_space<hbm>>
      %dma_wait3A_179 = arith.constant 0 : i32
      %dma_wait3A_180 = tpu.memref_slice %arg2[%add3A_176, %dma_wait3A_179] : memref<6400x128xi32, #tpu.memory_space<hbm>> -> memref<5x128xi32, #tpu.memory_space<hbm>>
      tpu.wait_dma2 semaphore(%arg10 : memref<!tpu.dma_semaphore, #tpu.memory_space<semaphore_mem>>) src(%dma_wait3A_180 : memref<5x128xi32, #tpu.memory_space<hbm>>) dst(%arg6 : memref<5x128xi32, #tpu.memory_space<vmem>>)
      %gt3A = arith.constant 0 : i32
      %gt3A_181 = arith.cmpi sgt, %add3A_106, %gt3A : i32
      %convert_element_type3A = arith.extui %gt3A_181 : i1 to i32
      %cond3A = arith.constant 0 : i32
      %cond3A_182 = arith.cmpi ne, %convert_element_type3A, %cond3A : i32
      scf.if %cond3A_182 {
        %sub3A = arith.constant 1 : i32
        %sub3A_313 = arith.subi %add3A_106, %sub3A : i32
        %mul3A_314 = arith.constant 5 : i32
        %mul3A_315 = arith.muli %sub3A_313, %mul3A_314 : i32
        %add3A_316 = arith.addi %mul3A_2, %mul3A_315 : i32
        %mul3A_317 = arith.constant 128 : i32
        %mul3A_318 = arith.muli %add3A_316, %mul3A_317 : i32
        %dma_wait3A_319 = arith.constant 0 : i32
        %dma_wait3A_320 = arith.constant 0 : i32
        %dma_wait3A_321 = tpu.memref_slice %arg8[%dma_wait3A_319, %dma_wait3A_320] : memref<640x64xf32, #tpu.memory_space<vmem>> -> memref<640x64xf32, #tpu.memory_space<vmem>>
        %dma_wait3A_322 = arith.constant 0 : i32
        %dma_wait3A_323 = tpu.memref_slice %arg4[%mul3A_318, %dma_wait3A_322] : memref<819200x128xf32, #tpu.memory_space<hbm>> -> memref<640x64xf32, #tpu.memory_space<hbm>>
        %dma_wait3A_324 = arith.constant 0 : i32
        %dma_wait3A_325 = tpu.memref_slice %arg4[%mul3A_318, %dma_wait3A_324] : memref<819200x128xf32, #tpu.memory_space<hbm>> -> memref<640x64xf32, #tpu.memory_space<hbm>>
        %dma_wait3A_326 = arith.constant 0 : i32
        %dma_wait3A_327 = arith.constant 0 : i32
        %dma_wait3A_328 = tpu.memref_slice %arg8[%dma_wait3A_326, %dma_wait3A_327] : memref<640x64xf32, #tpu.memory_space<vmem>> -> memref<640x64xf32, #tpu.memory_space<vmem>>
        tpu.wait_dma2 semaphore(%arg14 : memref<!tpu.dma_semaphore, #tpu.memory_space<semaphore_mem>>) src(%dma_wait3A_328 : memref<640x64xf32, #tpu.memory_space<vmem>>) dst(%dma_wait3A_325 : memref<640x64xf32, #tpu.memory_space<hbm>>)
      } else {
      }
      %lt3A = arith.constant 19 : i32
      %lt3A_183 = arith.cmpi slt, %scan3A_102, %lt3A : i32
      %convert_element_type3A_184 = arith.extui %lt3A_183 : i1 to i32
      %cond3A_185 = arith.constant 0 : i32
      %cond3A_186 = arith.cmpi ne, %convert_element_type3A_184, %cond3A_185 : i32
      scf.if %cond3A_186 {
        %add3A_313 = arith.constant 2 : i32
        %add3A_314 = arith.addi %add3A_106, %add3A_313 : i32
        %mul3A_315 = arith.constant 5 : i32
        %mul3A_316 = arith.muli %add3A_314, %mul3A_315 : i32
        %add3A_317 = arith.addi %mul3A_2, %mul3A_316 : i32
        %dma_start3A_318 = arith.constant 0 : i32
        %dma_start3A_319 = tpu.memref_slice %arg2[%add3A_317, %dma_start3A_318] : memref<6400x128xi32, #tpu.memory_space<hbm>> -> memref<5x128xi32, #tpu.memory_space<hbm>>
        %dma_start3A_320 = arith.constant 0 : i32
        %dma_start3A_321 = tpu.memref_slice %arg2[%add3A_317, %dma_start3A_320] : memref<6400x128xi32, #tpu.memory_space<hbm>> -> memref<5x128xi32, #tpu.memory_space<hbm>>
        tpu.enqueue_dma source(%dma_start3A_321 : memref<5x128xi32, #tpu.memory_space<hbm>>) target(%arg5 : memref<5x128xi32, #tpu.memory_space<vmem>>) target_semaphore(%arg9 : memref<!tpu.dma_semaphore, #tpu.memory_space<semaphore_mem>>)
      } else {
      }
      %add3A_187 = arith.constant 1 : i32
      %add3A_188 = arith.addi %add3A_106, %add3A_187 : i32
      %dma_start3A_189 = arith.constant 0 : i32
      %dma_start3A_190 = arith.constant 0 : i32
      %dma_start3A_191 = arith.constant 0 : i32
      %dma_start3A_192 = tpu.memref_slice %arg8[%dma_start3A_190, %dma_start3A_191] : memref<640x64xf32, #tpu.memory_space<vmem>> -> memref<128x64xf32, #tpu.memory_space<vmem>>
      %dma_start3A_193 = arith.constant 0 : i32
      %dma_start3A_194 = tpu.memref_slice %arg6[%dma_start3A_189, %dma_start3A_193] : memref<5x128xi32, #tpu.memory_space<vmem>> -> memref<1x128xi32, #tpu.memory_space<vmem>>
      %dma_start3A_195 = tpu.memref_squeeze %dma_start3A_194 : memref<1x128xi32, #tpu.memory_space<vmem>> -> memref<128xi32, #tpu.memory_space<vmem>>
      %dma_start3A_196 = arith.constant 0 : i32
      %dma_start3A_197 = arith.constant 0 : i32
      %dma_start3A_198 = tpu.memref_slice %arg3[%dma_start3A_196, %dma_start3A_197] : memref<800000x64xf32, #tpu.memory_space<hbm>> -> memref<800000x64xf32, #tpu.memory_space<hbm>>
      tpu.enqueue_indirect_dma source(%dma_start3A_198 : memref<800000x64xf32, #tpu.memory_space<hbm>>) target(%dma_start3A_192 : memref<128x64xf32, #tpu.memory_space<vmem>>) offsets(%dma_start3A_195 : memref<128xi32, #tpu.memory_space<vmem>>) semaphore(%arg12 : memref<!tpu.dma_semaphore, #tpu.memory_space<semaphore_mem>>)
      %dma_start3A_199 = arith.constant 1 : i32
      %dma_start3A_200 = arith.constant 128 : i32
      %dma_start3A_201 = arith.constant 0 : i32
      %dma_start3A_202 = tpu.memref_slice %arg8[%dma_start3A_200, %dma_start3A_201] : memref<640x64xf32, #tpu.memory_space<vmem>> -> memref<128x64xf32, #tpu.memory_space<vmem>>
      %dma_start3A_203 = arith.constant 0 : i32
      %dma_start3A_204 = tpu.memref_slice %arg6[%dma_start3A_199, %dma_start3A_203] : memref<5x128xi32, #tpu.memory_space<vmem>> -> memref<1x128xi32, #tpu.memory_space<vmem>>
      %dma_start3A_205 = tpu.memref_squeeze %dma_start3A_204 : memref<1x128xi32, #tpu.memory_space<vmem>> -> memref<128xi32, #tpu.memory_space<vmem>>
      %dma_start3A_206 = arith.constant 0 : i32
      %dma_start3A_207 = arith.constant 0 : i32
      %dma_start3A_208 = tpu.memref_slice %arg3[%dma_start3A_206, %dma_start3A_207] : memref<800000x64xf32, #tpu.memory_space<hbm>> -> memref<800000x64xf32, #tpu.memory_space<hbm>>
      tpu.enqueue_indirect_dma source(%dma_start3A_208 : memref<800000x64xf32, #tpu.memory_space<hbm>>) target(%dma_start3A_202 : memref<128x64xf32, #tpu.memory_space<vmem>>) offsets(%dma_start3A_205 : memref<128xi32, #tpu.memory_space<vmem>>) semaphore(%arg12 : memref<!tpu.dma_semaphore, #tpu.memory_space<semaphore_mem>>)
      %dma_start3A_209 = arith.constant 2 : i32
      %dma_start3A_210 = arith.constant 256 : i32
      %dma_start3A_211 = arith.constant 0 : i32
      %dma_start3A_212 = tpu.memref_slice %arg8[%dma_start3A_210, %dma_start3A_211] : memref<640x64xf32, #tpu.memory_space<vmem>> -> memref<128x64xf32, #tpu.memory_space<vmem>>
      %dma_start3A_213 = arith.constant 0 : i32
      %dma_start3A_214 = tpu.memref_slice %arg6[%dma_start3A_209, %dma_start3A_213] : memref<5x128xi32, #tpu.memory_space<vmem>> -> memref<1x128xi32, #tpu.memory_space<vmem>>
      %dma_start3A_215 = tpu.memref_squeeze %dma_start3A_214 : memref<1x128xi32, #tpu.memory_space<vmem>> -> memref<128xi32, #tpu.memory_space<vmem>>
      %dma_start3A_216 = arith.constant 0 : i32
      %dma_start3A_217 = arith.constant 0 : i32
      %dma_start3A_218 = tpu.memref_slice %arg3[%dma_start3A_216, %dma_start3A_217] : memref<800000x64xf32, #tpu.memory_space<hbm>> -> memref<800000x64xf32, #tpu.memory_space<hbm>>
      tpu.enqueue_indirect_dma source(%dma_start3A_218 : memref<800000x64xf32, #tpu.memory_space<hbm>>) target(%dma_start3A_212 : memref<128x64xf32, #tpu.memory_space<vmem>>) offsets(%dma_start3A_215 : memref<128xi32, #tpu.memory_space<vmem>>) semaphore(%arg12 : memref<!tpu.dma_semaphore, #tpu.memory_space<semaphore_mem>>)
      %dma_start3A_219 = arith.constant 3 : i32
      %dma_start3A_220 = arith.constant 384 : i32
      %dma_start3A_221 = arith.constant 0 : i32
      %dma_start3A_222 = tpu.memref_slice %arg8[%dma_start3A_220, %dma_start3A_221] : memref<640x64xf32, #tpu.memory_space<vmem>> -> memref<128x64xf32, #tpu.memory_space<vmem>>
      %dma_start3A_223 = arith.constant 0 : i32
      %dma_start3A_224 = tpu.memref_slice %arg6[%dma_start3A_219, %dma_start3A_223] : memref<5x128xi32, #tpu.memory_space<vmem>> -> memref<1x128xi32, #tpu.memory_space<vmem>>
      %dma_start3A_225 = tpu.memref_squeeze %dma_start3A_224 : memref<1x128xi32, #tpu.memory_space<vmem>> -> memref<128xi32, #tpu.memory_space<vmem>>
      %dma_start3A_226 = arith.constant 0 : i32
      %dma_start3A_227 = arith.constant 0 : i32
      %dma_start3A_228 = tpu.memref_slice %arg3[%dma_start3A_226, %dma_start3A_227] : memref<800000x64xf32, #tpu.memory_space<hbm>> -> memref<800000x64xf32, #tpu.memory_space<hbm>>
      tpu.enqueue_indirect_dma source(%dma_start3A_228 : memref<800000x64xf32, #tpu.memory_space<hbm>>) target(%dma_start3A_222 : memref<128x64xf32, #tpu.memory_space<vmem>>) offsets(%dma_start3A_225 : memref<128xi32, #tpu.memory_space<vmem>>) semaphore(%arg12 : memref<!tpu.dma_semaphore, #tpu.memory_space<semaphore_mem>>)
      %dma_start3A_229 = arith.constant 4 : i32
      %dma_start3A_230 = arith.constant 512 : i32
      %dma_start3A_231 = arith.constant 0 : i32
      %dma_start3A_232 = tpu.memref_slice %arg8[%dma_start3A_230, %dma_start3A_231] : memref<640x64xf32, #tpu.memory_space<vmem>> -> memref<128x64xf32, #tpu.memory_space<vmem>>
      %dma_start3A_233 = arith.constant 0 : i32
      %dma_start3A_234 = tpu.memref_slice %arg6[%dma_start3A_229, %dma_start3A_233] : memref<5x128xi32, #tpu.memory_space<vmem>> -> memref<1x128xi32, #tpu.memory_space<vmem>>
      %dma_start3A_235 = tpu.memref_squeeze %dma_start3A_234 : memref<1x128xi32, #tpu.memory_space<vmem>> -> memref<128xi32, #tpu.memory_space<vmem>>
      %dma_start3A_236 = arith.constant 0 : i32
      %dma_start3A_237 = arith.constant 0 : i32
      %dma_start3A_238 = tpu.memref_slice %arg3[%dma_start3A_236, %dma_start3A_237] : memref<800000x64xf32, #tpu.memory_space<hbm>> -> memref<800000x64xf32, #tpu.memory_space<hbm>>
      tpu.enqueue_indirect_dma source(%dma_start3A_238 : memref<800000x64xf32, #tpu.memory_space<hbm>>) target(%dma_start3A_232 : memref<128x64xf32, #tpu.memory_space<vmem>>) offsets(%dma_start3A_235 : memref<128xi32, #tpu.memory_space<vmem>>) semaphore(%arg12 : memref<!tpu.dma_semaphore, #tpu.memory_space<semaphore_mem>>)
      %mul3A_239 = arith.constant 2 : i32
      %mul3A_240 = arith.muli %mul3A_239, %scan3A_102 : i32
      %add3A_241 = arith.constant 1 : i32
      %add3A_242 = arith.addi %mul3A_240, %add3A_241 : i32
      %dma_wait3A_243 = arith.constant 0 : i32
      %dma_wait3A_244 = arith.constant 0 : i32
      %dma_wait3A_245 = arith.constant 0 : i32
      %dma_wait3A_246 = tpu.memref_slice %arg8[%dma_wait3A_244, %dma_wait3A_245] : memref<640x64xf32, #tpu.memory_space<vmem>> -> memref<128x64xf32, #tpu.memory_space<vmem>>
      %dma_wait3A_247 = arith.constant 0 : i32
      %dma_wait3A_248 = tpu.memref_slice %arg6[%dma_wait3A_243, %dma_wait3A_247] : memref<5x128xi32, #tpu.memory_space<vmem>> -> memref<1x128xi32, #tpu.memory_space<vmem>>
      %dma_wait3A_249 = tpu.memref_squeeze %dma_wait3A_248 : memref<1x128xi32, #tpu.memory_space<vmem>> -> memref<128xi32, #tpu.memory_space<vmem>>
      %dma_wait3A_250 = arith.constant 0 : i32
      %dma_wait3A_251 = arith.constant 0 : i32
      %dma_wait3A_252 = tpu.memref_slice %arg3[%dma_wait3A_250, %dma_wait3A_251] : memref<800000x64xf32, #tpu.memory_space<hbm>> -> memref<800000x64xf32, #tpu.memory_space<hbm>>
      tpu.wait_indirect_dma semaphore(%arg12 : memref<!tpu.dma_semaphore, #tpu.memory_space<semaphore_mem>>) src(%dma_wait3A_252 : memref<800000x64xf32, #tpu.memory_space<hbm>>) dst(%dma_wait3A_246 : memref<128x64xf32, #tpu.memory_space<vmem>>)
      %dma_wait3A_253 = arith.constant 1 : i32
      %dma_wait3A_254 = arith.constant 128 : i32
      %dma_wait3A_255 = arith.constant 0 : i32
      %dma_wait3A_256 = tpu.memref_slice %arg8[%dma_wait3A_254, %dma_wait3A_255] : memref<640x64xf32, #tpu.memory_space<vmem>> -> memref<128x64xf32, #tpu.memory_space<vmem>>
      %dma_wait3A_257 = arith.constant 0 : i32
      %dma_wait3A_258 = tpu.memref_slice %arg6[%dma_wait3A_253, %dma_wait3A_257] : memref<5x128xi32, #tpu.memory_space<vmem>> -> memref<1x128xi32, #tpu.memory_space<vmem>>
      %dma_wait3A_259 = tpu.memref_squeeze %dma_wait3A_258 : memref<1x128xi32, #tpu.memory_space<vmem>> -> memref<128xi32, #tpu.memory_space<vmem>>
      %dma_wait3A_260 = arith.constant 0 : i32
      %dma_wait3A_261 = arith.constant 0 : i32
      %dma_wait3A_262 = tpu.memref_slice %arg3[%dma_wait3A_260, %dma_wait3A_261] : memref<800000x64xf32, #tpu.memory_space<hbm>> -> memref<800000x64xf32, #tpu.memory_space<hbm>>
      tpu.wait_indirect_dma semaphore(%arg12 : memref<!tpu.dma_semaphore, #tpu.memory_space<semaphore_mem>>) src(%dma_wait3A_262 : memref<800000x64xf32, #tpu.memory_space<hbm>>) dst(%dma_wait3A_256 : memref<128x64xf32, #tpu.memory_space<vmem>>)
      %dma_wait3A_263 = arith.constant 2 : i32
      %dma_wait3A_264 = arith.constant 256 : i32
      %dma_wait3A_265 = arith.constant 0 : i32
      %dma_wait3A_266 = tpu.memref_slice %arg8[%dma_wait3A_264, %dma_wait3A_265] : memref<640x64xf32, #tpu.memory_space<vmem>> -> memref<128x64xf32, #tpu.memory_space<vmem>>
      %dma_wait3A_267 = arith.constant 0 : i32
      %dma_wait3A_268 = tpu.memref_slice %arg6[%dma_wait3A_263, %dma_wait3A_267] : memref<5x128xi32, #tpu.memory_space<vmem>> -> memref<1x128xi32, #tpu.memory_space<vmem>>
      %dma_wait3A_269 = tpu.memref_squeeze %dma_wait3A_268 : memref<1x128xi32, #tpu.memory_space<vmem>> -> memref<128xi32, #tpu.memory_space<vmem>>
      %dma_wait3A_270 = arith.constant 0 : i32
      %dma_wait3A_271 = arith.constant 0 : i32
      %dma_wait3A_272 = tpu.memref_slice %arg3[%dma_wait3A_270, %dma_wait3A_271] : memref<800000x64xf32, #tpu.memory_space<hbm>> -> memref<800000x64xf32, #tpu.memory_space<hbm>>
      tpu.wait_indirect_dma semaphore(%arg12 : memref<!tpu.dma_semaphore, #tpu.memory_space<semaphore_mem>>) src(%dma_wait3A_272 : memref<800000x64xf32, #tpu.memory_space<hbm>>) dst(%dma_wait3A_266 : memref<128x64xf32, #tpu.memory_space<vmem>>)
      %dma_wait3A_273 = arith.constant 3 : i32
      %dma_wait3A_274 = arith.constant 384 : i32
      %dma_wait3A_275 = arith.constant 0 : i32
      %dma_wait3A_276 = tpu.memref_slice %arg8[%dma_wait3A_274, %dma_wait3A_275] : memref<640x64xf32, #tpu.memory_space<vmem>> -> memref<128x64xf32, #tpu.memory_space<vmem>>
      %dma_wait3A_277 = arith.constant 0 : i32
      %dma_wait3A_278 = tpu.memref_slice %arg6[%dma_wait3A_273, %dma_wait3A_277] : memref<5x128xi32, #tpu.memory_space<vmem>> -> memref<1x128xi32, #tpu.memory_space<vmem>>
      %dma_wait3A_279 = tpu.memref_squeeze %dma_wait3A_278 : memref<1x128xi32, #tpu.memory_space<vmem>> -> memref<128xi32, #tpu.memory_space<vmem>>
      %dma_wait3A_280 = arith.constant 0 : i32
      %dma_wait3A_281 = arith.constant 0 : i32
      %dma_wait3A_282 = tpu.memref_slice %arg3[%dma_wait3A_280, %dma_wait3A_281] : memref<800000x64xf32, #tpu.memory_space<hbm>> -> memref<800000x64xf32, #tpu.memory_space<hbm>>
      tpu.wait_indirect_dma semaphore(%arg12 : memref<!tpu.dma_semaphore, #tpu.memory_space<semaphore_mem>>) src(%dma_wait3A_282 : memref<800000x64xf32, #tpu.memory_space<hbm>>) dst(%dma_wait3A_276 : memref<128x64xf32, #tpu.memory_space<vmem>>)
      %dma_wait3A_283 = arith.constant 4 : i32
      %dma_wait3A_284 = arith.constant 512 : i32
      %dma_wait3A_285 = arith.constant 0 : i32
      %dma_wait3A_286 = tpu.memref_slice %arg8[%dma_wait3A_284, %dma_wait3A_285] : memref<640x64xf32, #tpu.memory_space<vmem>> -> memref<128x64xf32, #tpu.memory_space<vmem>>
      %dma_wait3A_287 = arith.constant 0 : i32
      %dma_wait3A_288 = tpu.memref_slice %arg6[%dma_wait3A_283, %dma_wait3A_287] : memref<5x128xi32, #tpu.memory_space<vmem>> -> memref<1x128xi32, #tpu.memory_space<vmem>>
      %dma_wait3A_289 = tpu.memref_squeeze %dma_wait3A_288 : memref<1x128xi32, #tpu.memory_space<vmem>> -> memref<128xi32, #tpu.memory_space<vmem>>
      %dma_wait3A_290 = arith.constant 0 : i32
      %dma_wait3A_291 = arith.constant 0 : i32
      %dma_wait3A_292 = tpu.memref_slice %arg3[%dma_wait3A_290, %dma_wait3A_291] : memref<800000x64xf32, #tpu.memory_space<hbm>> -> memref<800000x64xf32, #tpu.memory_space<hbm>>
      tpu.wait_indirect_dma semaphore(%arg12 : memref<!tpu.dma_semaphore, #tpu.memory_space<semaphore_mem>>) src(%dma_wait3A_292 : memref<800000x64xf32, #tpu.memory_space<hbm>>) dst(%dma_wait3A_286 : memref<128x64xf32, #tpu.memory_space<vmem>>)
      %mul3A_293 = arith.constant 5 : i32
      %mul3A_294 = arith.muli %add3A_242, %mul3A_293 : i32
      %add3A_295 = arith.addi %mul3A_2, %mul3A_294 : i32
      %mul3A_296 = arith.constant 128 : i32
      %mul3A_297 = arith.muli %add3A_295, %mul3A_296 : i32
      %dma_start3A_298 = arith.constant 0 : i32
      %dma_start3A_299 = arith.constant 0 : i32
      %dma_start3A_300 = tpu.memref_slice %arg8[%dma_start3A_298, %dma_start3A_299] : memref<640x64xf32, #tpu.memory_space<vmem>> -> memref<640x64xf32, #tpu.memory_space<vmem>>
      %dma_start3A_301 = arith.constant 0 : i32
      %dma_start3A_302 = tpu.memref_slice %arg4[%mul3A_297, %dma_start3A_301] : memref<819200x128xf32, #tpu.memory_space<hbm>> -> memref<640x64xf32, #tpu.memory_space<hbm>>
      %dma_start3A_303 = arith.constant 0 : i32
      %dma_start3A_304 = tpu.memref_slice %arg4[%mul3A_297, %dma_start3A_303] : memref<819200x128xf32, #tpu.memory_space<hbm>> -> memref<640x64xf32, #tpu.memory_space<hbm>>
      %dma_start3A_305 = arith.constant 0 : i32
      %dma_start3A_306 = arith.constant 0 : i32
      %dma_start3A_307 = tpu.memref_slice %arg8[%dma_start3A_305, %dma_start3A_306] : memref<640x64xf32, #tpu.memory_space<vmem>> -> memref<640x64xf32, #tpu.memory_space<vmem>>
      tpu.enqueue_dma source(%dma_start3A_307 : memref<640x64xf32, #tpu.memory_space<vmem>>) target(%dma_start3A_304 : memref<640x64xf32, #tpu.memory_space<hbm>>) target_semaphore(%arg14 : memref<!tpu.dma_semaphore, #tpu.memory_space<semaphore_mem>>)
      %lt3A_308 = arith.constant 19 : i32
      %lt3A_309 = arith.cmpi slt, %scan3A_102, %lt3A_308 : i32
      %convert_element_type3A_310 = arith.extui %lt3A_309 : i1 to i32
      %cond3A_311 = arith.constant 0 : i32
      %cond3A_312 = arith.cmpi ne, %convert_element_type3A_310, %cond3A_311 : i32
      scf.if %cond3A_312 {
        %add3A_313 = arith.constant 1 : i32
        %add3A_314 = arith.addi %add3A_242, %add3A_313 : i32
        %mul3A_315 = arith.constant 5 : i32
        %mul3A_316 = arith.muli %add3A_314, %mul3A_315 : i32
        %add3A_317 = arith.addi %mul3A_2, %mul3A_316 : i32
        %dma_wait3A_318 = arith.constant 0 : i32
        %dma_wait3A_319 = tpu.memref_slice %arg2[%add3A_317, %dma_wait3A_318] : memref<6400x128xi32, #tpu.memory_space<hbm>> -> memref<5x128xi32, #tpu.memory_space<hbm>>
        %dma_wait3A_320 = arith.constant 0 : i32
        %dma_wait3A_321 = tpu.memref_slice %arg2[%add3A_317, %dma_wait3A_320] : memref<6400x128xi32, #tpu.memory_space<hbm>> -> memref<5x128xi32, #tpu.memory_space<hbm>>
        tpu.wait_dma2 semaphore(%arg9 : memref<!tpu.dma_semaphore, #tpu.memory_space<semaphore_mem>>) src(%dma_wait3A_321 : memref<5x128xi32, #tpu.memory_space<hbm>>) dst(%arg5 : memref<5x128xi32, #tpu.memory_space<vmem>>)
        %gt3A_322 = arith.constant 0 : i32
        %gt3A_323 = arith.cmpi sgt, %add3A_242, %gt3A_322 : i32
        %convert_element_type3A_324 = arith.extui %gt3A_323 : i1 to i32
        %cond3A_325 = arith.constant 0 : i32
        %cond3A_326 = arith.cmpi ne, %convert_element_type3A_324, %cond3A_325 : i32
        scf.if %cond3A_326 {
          %sub3A = arith.constant 1 : i32
          %sub3A_384 = arith.subi %add3A_242, %sub3A : i32
          %mul3A_385 = arith.constant 5 : i32
          %mul3A_386 = arith.muli %sub3A_384, %mul3A_385 : i32
          %add3A_387 = arith.addi %mul3A_2, %mul3A_386 : i32
          %mul3A_388 = arith.constant 128 : i32
          %mul3A_389 = arith.muli %add3A_387, %mul3A_388 : i32
          %dma_wait3A_390 = arith.constant 0 : i32
          %dma_wait3A_391 = arith.constant 0 : i32
          %dma_wait3A_392 = tpu.memref_slice %arg7[%dma_wait3A_390, %dma_wait3A_391] : memref<640x64xf32, #tpu.memory_space<vmem>> -> memref<640x64xf32, #tpu.memory_space<vmem>>
          %dma_wait3A_393 = arith.constant 0 : i32
          %dma_wait3A_394 = tpu.memref_slice %arg4[%mul3A_389, %dma_wait3A_393] : memref<819200x128xf32, #tpu.memory_space<hbm>> -> memref<640x64xf32, #tpu.memory_space<hbm>>
          %dma_wait3A_395 = arith.constant 0 : i32
          %dma_wait3A_396 = tpu.memref_slice %arg4[%mul3A_389, %dma_wait3A_395] : memref<819200x128xf32, #tpu.memory_space<hbm>> -> memref<640x64xf32, #tpu.memory_space<hbm>>
          %dma_wait3A_397 = arith.constant 0 : i32
          %dma_wait3A_398 = arith.constant 0 : i32
          %dma_wait3A_399 = tpu.memref_slice %arg7[%dma_wait3A_397, %dma_wait3A_398] : memref<640x64xf32, #tpu.memory_space<vmem>> -> memref<640x64xf32, #tpu.memory_space<vmem>>
          tpu.wait_dma2 semaphore(%arg13 : memref<!tpu.dma_semaphore, #tpu.memory_space<semaphore_mem>>) src(%dma_wait3A_399 : memref<640x64xf32, #tpu.memory_space<vmem>>) dst(%dma_wait3A_396 : memref<640x64xf32, #tpu.memory_space<hbm>>)
        } else {
        }
        %lt3A_327 = arith.constant 19 : i32
        %lt3A_328 = arith.cmpi slt, %scan3A_102, %lt3A_327 : i32
        %convert_element_type3A_329 = arith.extui %lt3A_328 : i1 to i32
        %cond3A_330 = arith.constant 0 : i32
        %cond3A_331 = arith.cmpi ne, %convert_element_type3A_329, %cond3A_330 : i32
        scf.if %cond3A_331 {
          %add3A_384 = arith.constant 2 : i32
          %add3A_385 = arith.addi %add3A_242, %add3A_384 : i32
          %mul3A_386 = arith.constant 5 : i32
          %mul3A_387 = arith.muli %add3A_385, %mul3A_386 : i32
          %add3A_388 = arith.addi %mul3A_2, %mul3A_387 : i32
          %dma_start3A_389 = arith.constant 0 : i32
          %dma_start3A_390 = tpu.memref_slice %arg2[%add3A_388, %dma_start3A_389] : memref<6400x128xi32, #tpu.memory_space<hbm>> -> memref<5x128xi32, #tpu.memory_space<hbm>>
          %dma_start3A_391 = arith.constant 0 : i32
          %dma_start3A_392 = tpu.memref_slice %arg2[%add3A_388, %dma_start3A_391] : memref<6400x128xi32, #tpu.memory_space<hbm>> -> memref<5x128xi32, #tpu.memory_space<hbm>>
          tpu.enqueue_dma source(%dma_start3A_392 : memref<5x128xi32, #tpu.memory_space<hbm>>) target(%arg6 : memref<5x128xi32, #tpu.memory_space<vmem>>) target_semaphore(%arg10 : memref<!tpu.dma_semaphore, #tpu.memory_space<semaphore_mem>>)
        } else {
        }
        %add3A_332 = arith.constant 1 : i32
        %add3A_333 = arith.addi %add3A_242, %add3A_332 : i32
        %dma_start3A_334 = arith.constant 0 : i32
        %dma_start3A_335 = arith.constant 0 : i32
        %dma_start3A_336 = arith.constant 0 : i32
        %dma_start3A_337 = tpu.memref_slice %arg7[%dma_start3A_335, %dma_start3A_336] : memref<640x64xf32, #tpu.memory_space<vmem>> -> memref<128x64xf32, #tpu.memory_space<vmem>>
        %dma_start3A_338 = arith.constant 0 : i32
        %dma_start3A_339 = tpu.memref_slice %arg5[%dma_start3A_334, %dma_start3A_338] : memref<5x128xi32, #tpu.memory_space<vmem>> -> memref<1x128xi32, #tpu.memory_space<vmem>>
        %dma_start3A_340 = tpu.memref_squeeze %dma_start3A_339 : memref<1x128xi32, #tpu.memory_space<vmem>> -> memref<128xi32, #tpu.memory_space<vmem>>
        %dma_start3A_341 = arith.constant 0 : i32
        %dma_start3A_342 = arith.constant 0 : i32
        %dma_start3A_343 = tpu.memref_slice %arg3[%dma_start3A_341, %dma_start3A_342] : memref<800000x64xf32, #tpu.memory_space<hbm>> -> memref<800000x64xf32, #tpu.memory_space<hbm>>
        tpu.enqueue_indirect_dma source(%dma_start3A_343 : memref<800000x64xf32, #tpu.memory_space<hbm>>) target(%dma_start3A_337 : memref<128x64xf32, #tpu.memory_space<vmem>>) offsets(%dma_start3A_340 : memref<128xi32, #tpu.memory_space<vmem>>) semaphore(%arg11 : memref<!tpu.dma_semaphore, #tpu.memory_space<semaphore_mem>>)
        %dma_start3A_344 = arith.constant 1 : i32
        %dma_start3A_345 = arith.constant 128 : i32
        %dma_start3A_346 = arith.constant 0 : i32
        %dma_start3A_347 = tpu.memref_slice %arg7[%dma_start3A_345, %dma_start3A_346] : memref<640x64xf32, #tpu.memory_space<vmem>> -> memref<128x64xf32, #tpu.memory_space<vmem>>
        %dma_start3A_348 = arith.constant 0 : i32
        %dma_start3A_349 = tpu.memref_slice %arg5[%dma_start3A_344, %dma_start3A_348] : memref<5x128xi32, #tpu.memory_space<vmem>> -> memref<1x128xi32, #tpu.memory_space<vmem>>
        %dma_start3A_350 = tpu.memref_squeeze %dma_start3A_349 : memref<1x128xi32, #tpu.memory_space<vmem>> -> memref<128xi32, #tpu.memory_space<vmem>>
        %dma_start3A_351 = arith.constant 0 : i32
        %dma_start3A_352 = arith.constant 0 : i32
        %dma_start3A_353 = tpu.memref_slice %arg3[%dma_start3A_351, %dma_start3A_352] : memref<800000x64xf32, #tpu.memory_space<hbm>> -> memref<800000x64xf32, #tpu.memory_space<hbm>>
        tpu.enqueue_indirect_dma source(%dma_start3A_353 : memref<800000x64xf32, #tpu.memory_space<hbm>>) target(%dma_start3A_347 : memref<128x64xf32, #tpu.memory_space<vmem>>) offsets(%dma_start3A_350 : memref<128xi32, #tpu.memory_space<vmem>>) semaphore(%arg11 : memref<!tpu.dma_semaphore, #tpu.memory_space<semaphore_mem>>)
        %dma_start3A_354 = arith.constant 2 : i32
        %dma_start3A_355 = arith.constant 256 : i32
        %dma_start3A_356 = arith.constant 0 : i32
        %dma_start3A_357 = tpu.memref_slice %arg7[%dma_start3A_355, %dma_start3A_356] : memref<640x64xf32, #tpu.memory_space<vmem>> -> memref<128x64xf32, #tpu.memory_space<vmem>>
        %dma_start3A_358 = arith.constant 0 : i32
        %dma_start3A_359 = tpu.memref_slice %arg5[%dma_start3A_354, %dma_start3A_358] : memref<5x128xi32, #tpu.memory_space<vmem>> -> memref<1x128xi32, #tpu.memory_space<vmem>>
        %dma_start3A_360 = tpu.memref_squeeze %dma_start3A_359 : memref<1x128xi32, #tpu.memory_space<vmem>> -> memref<128xi32, #tpu.memory_space<vmem>>
        %dma_start3A_361 = arith.constant 0 : i32
        %dma_start3A_362 = arith.constant 0 : i32
        %dma_start3A_363 = tpu.memref_slice %arg3[%dma_start3A_361, %dma_start3A_362] : memref<800000x64xf32, #tpu.memory_space<hbm>> -> memref<800000x64xf32, #tpu.memory_space<hbm>>
        tpu.enqueue_indirect_dma source(%dma_start3A_363 : memref<800000x64xf32, #tpu.memory_space<hbm>>) target(%dma_start3A_357 : memref<128x64xf32, #tpu.memory_space<vmem>>) offsets(%dma_start3A_360 : memref<128xi32, #tpu.memory_space<vmem>>) semaphore(%arg11 : memref<!tpu.dma_semaphore, #tpu.memory_space<semaphore_mem>>)
        %dma_start3A_364 = arith.constant 3 : i32
        %dma_start3A_365 = arith.constant 384 : i32
        %dma_start3A_366 = arith.constant 0 : i32
        %dma_start3A_367 = tpu.memref_slice %arg7[%dma_start3A_365, %dma_start3A_366] : memref<640x64xf32, #tpu.memory_space<vmem>> -> memref<128x64xf32, #tpu.memory_space<vmem>>
        %dma_start3A_368 = arith.constant 0 : i32
        %dma_start3A_369 = tpu.memref_slice %arg5[%dma_start3A_364, %dma_start3A_368] : memref<5x128xi32, #tpu.memory_space<vmem>> -> memref<1x128xi32, #tpu.memory_space<vmem>>
        %dma_start3A_370 = tpu.memref_squeeze %dma_start3A_369 : memref<1x128xi32, #tpu.memory_space<vmem>> -> memref<128xi32, #tpu.memory_space<vmem>>
        %dma_start3A_371 = arith.constant 0 : i32
        %dma_start3A_372 = arith.constant 0 : i32
        %dma_start3A_373 = tpu.memref_slice %arg3[%dma_start3A_371, %dma_start3A_372] : memref<800000x64xf32, #tpu.memory_space<hbm>> -> memref<800000x64xf32, #tpu.memory_space<hbm>>
        tpu.enqueue_indirect_dma source(%dma_start3A_373 : memref<800000x64xf32, #tpu.memory_space<hbm>>) target(%dma_start3A_367 : memref<128x64xf32, #tpu.memory_space<vmem>>) offsets(%dma_start3A_370 : memref<128xi32, #tpu.memory_space<vmem>>) semaphore(%arg11 : memref<!tpu.dma_semaphore, #tpu.memory_space<semaphore_mem>>)
        %dma_start3A_374 = arith.constant 4 : i32
        %dma_start3A_375 = arith.constant 512 : i32
        %dma_start3A_376 = arith.constant 0 : i32
        %dma_start3A_377 = tpu.memref_slice %arg7[%dma_start3A_375, %dma_start3A_376] : memref<640x64xf32, #tpu.memory_space<vmem>> -> memref<128x64xf32, #tpu.memory_space<vmem>>
        %dma_start3A_378 = arith.constant 0 : i32
        %dma_start3A_379 = tpu.memref_slice %arg5[%dma_start3A_374, %dma_start3A_378] : memref<5x128xi32, #tpu.memory_space<vmem>> -> memref<1x128xi32, #tpu.memory_space<vmem>>
        %dma_start3A_380 = tpu.memref_squeeze %dma_start3A_379 : memref<1x128xi32, #tpu.memory_space<vmem>> -> memref<128xi32, #tpu.memory_space<vmem>>
        %dma_start3A_381 = arith.constant 0 : i32
        %dma_start3A_382 = arith.constant 0 : i32
        %dma_start3A_383 = tpu.memref_slice %arg3[%dma_start3A_381, %dma_start3A_382] : memref<800000x64xf32, #tpu.memory_space<hbm>> -> memref<800000x64xf32, #tpu.memory_space<hbm>>
        tpu.enqueue_indirect_dma source(%dma_start3A_383 : memref<800000x64xf32, #tpu.memory_space<hbm>>) target(%dma_start3A_377 : memref<128x64xf32, #tpu.memory_space<vmem>>) offsets(%dma_start3A_380 : memref<128xi32, #tpu.memory_space<vmem>>) semaphore(%arg11 : memref<!tpu.dma_semaphore, #tpu.memory_space<semaphore_mem>>)
      } else {
      }
    }
    %scan3A_73 = arith.constant 20 : i32
    %add3A_74 = arith.constant 190 : i32
    %add3A_75 = arith.addi %mul3A_2, %add3A_74 : i32
    %mul3A_76 = arith.constant 128 : i32
    %mul3A_77 = arith.muli %add3A_75, %mul3A_76 : i32
    %dma_wait3A_78 = arith.constant 0 : i32
    %dma_wait3A_79 = arith.constant 0 : i32
    %dma_wait3A_80 = tpu.memref_slice %arg7[%dma_wait3A_78, %dma_wait3A_79] : memref<640x64xf32, #tpu.memory_space<vmem>> -> memref<640x64xf32, #tpu.memory_space<vmem>>
    %dma_wait3A_81 = arith.constant 0 : i32
    %dma_wait3A_82 = tpu.memref_slice %arg4[%mul3A_77, %dma_wait3A_81] : memref<819200x128xf32, #tpu.memory_space<hbm>> -> memref<640x64xf32, #tpu.memory_space<hbm>>
    %dma_wait3A_83 = arith.constant 0 : i32
    %dma_wait3A_84 = tpu.memref_slice %arg4[%mul3A_77, %dma_wait3A_83] : memref<819200x128xf32, #tpu.memory_space<hbm>> -> memref<640x64xf32, #tpu.memory_space<hbm>>
    %dma_wait3A_85 = arith.constant 0 : i32
    %dma_wait3A_86 = arith.constant 0 : i32
    %dma_wait3A_87 = tpu.memref_slice %arg7[%dma_wait3A_85, %dma_wait3A_86] : memref<640x64xf32, #tpu.memory_space<vmem>> -> memref<640x64xf32, #tpu.memory_space<vmem>>
    tpu.wait_dma2 semaphore(%arg13 : memref<!tpu.dma_semaphore, #tpu.memory_space<semaphore_mem>>) src(%dma_wait3A_87 : memref<640x64xf32, #tpu.memory_space<vmem>>) dst(%dma_wait3A_84 : memref<640x64xf32, #tpu.memory_space<hbm>>)
    %add3A_88 = arith.constant 195 : i32
    %add3A_89 = arith.addi %mul3A_2, %add3A_88 : i32
    %mul3A_90 = arith.constant 128 : i32
    %mul3A_91 = arith.muli %add3A_89, %mul3A_90 : i32
    %dma_wait3A_92 = arith.constant 0 : i32
    %dma_wait3A_93 = arith.constant 0 : i32
    %dma_wait3A_94 = tpu.memref_slice %arg8[%dma_wait3A_92, %dma_wait3A_93] : memref<640x64xf32, #tpu.memory_space<vmem>> -> memref<640x64xf32, #tpu.memory_space<vmem>>
    %dma_wait3A_95 = arith.constant 0 : i32
    %dma_wait3A_96 = tpu.memref_slice %arg4[%mul3A_91, %dma_wait3A_95] : memref<819200x128xf32, #tpu.memory_space<hbm>> -> memref<640x64xf32, #tpu.memory_space<hbm>>
    %dma_wait3A_97 = arith.constant 0 : i32
    %dma_wait3A_98 = tpu.memref_slice %arg4[%mul3A_91, %dma_wait3A_97] : memref<819200x128xf32, #tpu.memory_space<hbm>> -> memref<640x64xf32, #tpu.memory_space<hbm>>
    %dma_wait3A_99 = arith.constant 0 : i32
    %dma_wait3A_100 = arith.constant 0 : i32
    %dma_wait3A_101 = tpu.memref_slice %arg8[%dma_wait3A_99, %dma_wait3A_100] : memref<640x64xf32, #tpu.memory_space<vmem>> -> memref<640x64xf32, #tpu.memory_space<vmem>>
    tpu.wait_dma2 semaphore(%arg14 : memref<!tpu.dma_semaphore, #tpu.memory_space<semaphore_mem>>) src(%dma_wait3A_101 : memref<640x64xf32, #tpu.memory_space<vmem>>) dst(%dma_wait3A_98 : memref<640x64xf32, #tpu.memory_space<hbm>>)
    return
  }
}

</mosaic_0001>

<sc_bundles>
// kernel: _sc_gather.3.cloned.1.call-start
scs
__scs_entry_jumppad:
0x0: {  	(pc) =	sbr.rel $0x88, $3  }
0x1: {  	(tag) =	ssettag $0x0;
	lr =	simm.s32 $0x1  }
0x2: {  	[smem:$0x3F9F] =	sst lr;
	_ =	strace $0xD0000000  }
0x3: {  	_ = 	snop  }
0x4: {  	_ = 	snop  }
0x5: {  	_ = 	snop  }
0x6: {  	_ = 	snop  }
0x7: {  	_ = 	snop  }
__scs_overlays_trampoline_lowered:
0x8: {  	[smem:$0x3FAE] =	sst s0  }
0x9: {  	[smem:$0x3FAF] =	sst s1  }
0xa: {  	[smem:$0x3FB0] =	sst s2  }
0xb: {  	[smem:$0x3FB1] =	sst s3  }
0xc: {  	[smem:$0x3FB2] =	sst s4  }
0xd: {  	[smem:$0x3FB3] =	sst s5  }
0xe: {  	[smem:$0x3FB4] =	sst s6  }
0xf: {  	[smem:$0x3FB5] =	sst s7  }
0x10: {  	[smem:$0x3FB6] =	sst s8  }
0x11: {  	[smem:$0x3FB7] =	sst s9;
	s0 =	simm.s32 @!p0 $0x0  }
0x12: {  	s1 =	sld [smem:$0x3F9D];
	s0 =	simm.s32 @p0 $0x1  }
0x13: {  	[smem:$0x3FB8] =	sst s0;
	s0 =	simm.s32 @!p1 $0x0  }
0x14: {  	s2 =	sld [smem:$0x3F9C];
	s0 =	simm.s32 @p1 $0x1  }
0x15: {  	[smem:$0x3FB9] =	sst s0;
	s0 =	simm.s32 @!p2 $0x0  }
0x16: {  	s3 =	sld [smem:$0x3FDB];
	s0 =	simm.s32 @p2 $0x1  }
0x17: {  	s4 =	simm.s32 $0x1BF5;
	[smem:$0x3FBB] =	sst s0  }
0x18: {  	s0 =	sld [smem:$0x3F9E];
	_ =	swait.ge [sflag:s4], $0x0  }
0x19: {  	s7 =	sld [smem:$0x3F9F]  }
0x1a: {  	s8 =	sadd.s32 $0xFFFFE003, lr  }
0x1b: {  	s9 =	sadd.s32 $0xFFFFFEF7, lr;
	s5 =	simm.s32 $0xFFFFFFFF;
	p2 =	slt.u32 s8, $0xFFFFF086  }
0x1c: {  	p1 =	slt.u32 s9, $0xF7A;
	s5 =	simm.s32 @!p2 $0x0  }
0x1d: {  	s5 =	simm.s32 @p1 $0x1;
	p0 =	seq.s32 s7, s2  }
0x1e: {  	s7 =	smul.u32 @!p0 $0xF7A, s2;
	p2 =	seq.s32 @!p0 s5, $0x0  }
0x1f: {  	s9 =	smul.u32 $0xF7A, s1;
	s8 =	simm.s32 @!p0 $0x1BF5;
	p2 =	por !p2, p0  }
0x20: {  	[sflag:s8] =	ssyncset.s32 @!p0 $0xFFFFF086;
	s6 =	sadd.s32 @!p0 s3, s7;
	s7 =	simm.s32 @!p0 $0x108  }
0x21: {  	s3 =	sadd.s32 s3, s9;
	s6 =	sadd.s32 @!p0 $0x88, s6;
	s7 =	simm.s32 @p2 $0x1082  }
0x22: {  	[simem:s7], [sflag:s8] =	dma.local @!p0 [hbm:s6], $0xF7A  }
0x23: {  	s9 =	sor.u32 $0xD0000000, s2;
	s6 =	simm.s32 $0x108;
	_ =	swait.ge @!p0 [sflag:s8], $0x0  }
0x24: {  	s3 =	sadd.s32 $0x88, s3;
	s6 =	simm.s32 @!p1 $0x1082;
	[sflag:s4] =	ssyncset.s32 $0xFFFFF086  }
0x25: {  	[simem:s6], [sflag:s4] =	dma.local [hbm:s3], $0xF7A  }
0x26: {  	[smem:$0x3F9F] =	sst s1;
	(tag) =	ssettag s2;
	_ =	strace s9  }
0x27: {  	s1 =	sld [smem:$0x3FAF]  }
0x28: {  	s2 =	sld [smem:$0x3FB0]  }
0x29: {  	s4 =	sld [smem:$0x3FB2]  }
0x2a: {  	p0 =	seq.s32 s5, $0x0;
	s5 =	sld [smem:$0x3FB3]  }
0x2b: {  	s6 =	sld [smem:$0x3FB4]  }
0x2c: {  	s7 =	sld [smem:$0x3FB5]  }
0x2d: {  	s3 =	simm.s32 $0x108;
	s8 =	sld [smem:$0x3FB6]  }
0x2e: {  	s3 =	simm.s32 @!p0 $0x1082;
	s9 =	sld [smem:$0x3FB7]  }
0x2f: {  	lr =	sadd.s32 s0, s3;
	s0 =	sld [smem:$0x3FAE]  }
0x30: {  	s3 =	sld [smem:$0x3FB1]  }
0x31: {  	[smem:$0x3FBA] =	sst s10  }
0x32: {  	s10 =	sld [smem:$0x3FB8];
	_ =	sdelay $0x3  }
0x33: {  	p0 =	seq.s32 s10, $0x1;
	s10 =	sld [smem:$0x3FBA];
	_ =	sdelay $0x3  }
0x34: {  	[smem:$0x3FBA] =	sst s10  }
0x35: {  	s10 =	sld [smem:$0x3FB9];
	_ =	sdelay $0x3  }
0x36: {  	p1 =	seq.s32 s10, $0x1;
	s10 =	sld [smem:$0x3FBA];
	_ =	sdelay $0x3  }
0x37: {  	[smem:$0x3FBA] =	sst s10  }
0x38: {  	s10 =	sld [smem:$0x3FBB]  }
0x39: {  	_ = 	snop;
	(pc) =	sbr.ind lr, $3  }
0x3a: {  	_ = 	snop  }
0x3b: {  	_ = 	snop  }
0x3c: {  	p2 =	seq.s32 s10, $0x1;
	s10 =	sld [smem:$0x3FBA]  }
0x3d: {  	_ =	shalt  }
0x3e: {  	_ =	shalt  }
0x3f: {  	_ =	shalt  }
0x40: {  	_ =	shalt  }
0x41: {  	_ =	shalt  }
0x42: {  	_ =	shalt  }
0x43: {  	_ =	shalt  }
0x44: {  	_ =	shalt  }
0x45: {  	_ =	shalt  }
0x46: {  	_ =	shalt  }
0x47: {  	_ =	shalt  }
0x48: {  	_ =	shalt  }
0x49: {  	_ =	shalt  }
0x4a: {  	_ =	shalt  }
0x4b: {  	_ =	shalt  }
0x4c: {  	_ =	shalt  }
0x4d: {  	_ =	shalt  }
0x4e: {  	_ =	shalt  }
0x4f: {  	_ =	shalt  }
0x50: {  	_ =	shalt  }
0x51: {  	_ =	shalt  }
0x52: {  	_ =	shalt  }
0x53: {  	_ =	shalt  }
0x54: {  	_ =	shalt  }
0x55: {  	_ =	shalt  }
0x56: {  	_ =	shalt  }
0x57: {  	_ =	shalt  }
0x58: {  	_ =	shalt  }
0x59: {  	_ =	shalt  }
0x5a: {  	_ =	shalt  }
0x5b: {  	_ =	shalt  }
0x5c: {  	_ =	shalt  }
0x5d: {  	_ =	shalt  }
0x5e: {  	_ =	shalt  }
0x5f: {  	_ =	shalt  }
0x60: {  	_ =	shalt  }
0x61: {  	_ =	shalt  }
0x62: {  	_ =	shalt  }
0x63: {  	_ =	shalt  }
0x64: {  	_ =	shalt  }
0x65: {  	_ =	shalt  }
0x66: {  	_ =	shalt  }
0x67: {  	_ =	shalt  }
0x68: {  	_ =	shalt  }
0x69: {  	_ =	shalt  }
0x6a: {  	_ =	shalt  }
0x6b: {  	_ =	shalt  }
0x6c: {  	_ =	shalt  }
0x6d: {  	_ =	shalt  }
0x6e: {  	_ =	shalt  }
0x6f: {  	_ =	shalt  }
0x70: {  	_ =	shalt  }
0x71: {  	_ =	shalt  }
0x72: {  	_ =	shalt  }
0x73: {  	_ =	shalt  }
0x74: {  	_ =	shalt  }
0x75: {  	_ =	shalt  }
0x76: {  	_ =	shalt  }
0x77: {  	_ =	shalt  }
0x78: {  	_ =	shalt  }
0x79: {  	_ =	shalt  }
0x7a: {  	_ =	shalt  }
0x7b: {  	_ =	shalt  }
0x7c: {  	_ =	shalt  }
0x7d: {  	_ =	shalt  }
0x7e: {  	_ =	shalt  }
0x7f: {  	_ =	shalt  }
0x80: {  	_ =	shalt  }
0x81: {  	_ =	shalt  }
0x82: {  	_ =	shalt  }
0x83: {  	_ =	shalt  }
0x84: {  	_ =	shalt  }
0x85: {  	_ =	shalt  }
0x86: {  	_ =	shalt  }
0x87: {  	_ =	shalt  }
.Lfunc_end0:
.L_simem_size_0:
called_computation_lowered:
.L_overlay_start_0:
0x88: {  	s2 =	sld [smem:$0x3FD9]  }
0x89: {  	s3 =	sld [smem:$0x3FFE];
	_ =	sdelay $0x1  }
0x8a: {  	s1 =	srdreg.scid  }
0x8b: {  	s0 =	sand.u32 $0x1, s1  }
0x8c: {  	s17 =	sshll.u32 s0, $0xA;
	s2 =	sadd.s32 s3, s2  }
0x8d: {  	s2 =	sadd.s32 s2, s17  }
0x8e: {  	[smem:$0x3FC6] =	sst s2  }
0x8f: {  	_ = 	snop  }
0x90: {  	s2 =	sld [smem:$0x3FC9]  }
0x91: {  	s18 =	sld [smem:$0x3FD0];
	(tm) =	ssettm $0x1  }
0x92: {  	s4 =	sld [smem:$0x3FFB];
	_ =	sdelay $0x3  }
0x93: {  	_ =	strace s4  }
0x94: {  	s4 =	sld [smem:$0x3FFC];
	_ =	sdelay $0x3  }
0x95: {  	_ =	strace s4  }
0x96: {  	s4 =	sld [smem:$0x3FFD];
	_ =	sdelay $0x3  }
0x97: {  	_ =	strace s4  }
0x98: {  	_ =	strace $0x8FFFFFFF  }
0x99: {  	s19 =	sld [smem:$0x3FDB];
	_ =	sdelay $0x1  }
0x9a: {  	s5 =	simm.s32 $_scs_section_size  }
0x9b: {  	s6 =	simm.s32 $_size__tile_overlayer_lowered;
	s7 =	simm.s32 $_tile_overlayer_lowered  }
0x9c: {  	s22 =	simm.s32 $0x1BFF;
	s21 =	sshll.u32 s7, $0x1;
	s4 =	sadd.s32 s5, s19  }
0x9d: {  	s8 =	simm.s32 $0x0;
	s20 =	sshll.u32 s6, $0x1;
	s6 =	sadd.s32 s21, s4  }
0x9e: {  	[timem:s8], [sflag:s22] =	dma.local [hbm:s6], s20  }
0x9f: {  	_ =	swait.ge [sflag:s22], s20  }
0xa0: {  	s5 =	ssub.s32 $0x0, s20;
	[sflag:s22] =	ssyncset.done $0x0  }
0xa1: {  	[sflag:s22] =	ssyncadd.s32 s5;
	_ =	sdelay $0x1  }
0xa2: {  	s23 =	simm.s32 $0x1B8B  }
0xa3: {  	_ =	swait.ge [sflag:s23], $0x1  }
0xa4: {  	[sflag:s23] =	ssyncset.done $0x0  }
0xa5: {  	s25 =	simm.s32 $0x1B8E;
	s24 =	sld [smem:$0x3FFE];
	[sflag:s23] =	ssyncadd.s32 $0xFFFFFFFF  }
0xa6: {  	s26 =	simm.s32 $execute0_lowered;
	[smem:$0x3FD2] =	sst s25  }
0xa7: {  	s6 =	sshll.u32 s26, $0x1;
	_ =	strace $0x80000046;
	[dreg:$0x1] =	wrdreg $0xFFFFFFFF  }
0xa8: {  	s28 =	simm.s32 $_size_execute0_lowered;
	s4 =	sadd.s32 s4, s6;
	[dreg:$0x0] =	wrdreg $0x0  }
0xa9: {  	s6 =	sshll.u32 s28, $0x1;
	[dreg:$0x2] =	wrdreg s4  }
0xaa: {  	[dreg:$0x3] =	wrdreg s6  }
0xab: {  	[dreg:$0x4] =	wrdreg $0xC0  }
0xac: {  	_ =	task [dreg:s8], $0x5FFFF  }
0xad: {  	[dreg:$0x1] =	wrdreg $0xFFFFFFFF  }
0xae: {  	[dreg:$0x0] =	wrdreg $0x60  }
0xaf: {  	[dreg:$0x2] =	wrdreg s2  }
0xb0: {  	[dreg:$0x3] =	wrdreg s24  }
0xb1: {  	[dreg:$0x4] =	wrdreg s18  }
0xb2: {  	[dreg:$0x5] =	wrdreg $0x9  }
0xb3: {  	_ =	task.clear_ibuf [dreg:s8], $0x6FFFF;
	_ =	strace $0x90000046  }
0xb4: {  	s29 =	simm.s32 $0x9;
	_ =	strace $0x80000048  }
0xb5: {  	_ =	swait.ge [sflag:s29], $0x1  }
0xb6: {  	[sflag:s29] =	ssyncadd.s32 $0xFFFFFFFF  }
0xb7: {  	_ =	strace $0x90000048  }
0xb8: {  	_ =	sfence  }
0xb9: {  	s30 =	sld [smem:$0x0];
	_ =	sdelay $0x2  }
0xba: {  	s31 =	sshll.u32 s1, $0xD;
	s1 =	sshrl.u32 s1, $0x2  }
0xbb: {  	s3 =	sand.u32 $0x4000, s31;
	s1 =	sadd.s32 s1, s30  }
0xbc: {  	s0 =	sor.u32 s3, s0;
	s1 =	sshll.u32 s1, $0x11  }
0xbd: {  	s0 =	sor.u32 s1, s0  }
0xbe: {  	s0 =	sadd.s32 $0x8F2B, s0  }
0xbf: {  	[sflag:s0] =	ssyncadd.remote.s32 $0x1  }
0xc0: {  	_ =	sfence.sel $0xFFFF  }
0xc1: {  	[dreg:$0x0] =	wrdreg $0xFFFFFFFF;
	(pc) =	sbr.abs _section_cstart, $3  }
0xc2: {  	[dreg:$0x1] =	wrdreg $0xFFFFFFFF  }
0xc3: {  	_ =	task.clear_ibuf [dreg:s8], $0x2FFFF;
	_ =	strace $0x9FFFFFFF  }
0xc4: {  	(tm) =	ssettm $0x7FFFFFFF  }
0xc5: {  	_ =	shalt  }
tec
execute0_lowered:
.L_overlay_start_1:
0x0: {  	(tag) =	ssettag $0x1  }
0x1: {  	s0 =	rddreg [dreg:$0x0]  }
0x2: {  	s1 =	srdreg.scid;
	s3 =	rddreg [dreg:$0x1]  }
0x3: {  	s10 =	stileid.u32;
	s5 =	rddreg [dreg:$0x2];
	s11 =	simm.s32 $0x280  }
0x4: {  	s12 =	simm.s32 $0x1;
	s13 =	simm.s32 $0x80;
	s14 =	simm.s32 $0x500  }
0x5: {  	s28 =	simm.s32 $0xC500;
	s29 =	simm.s32 $0x380;
	s30 =	simm.s32 $0xE500  }
0x6: {  	s31 =	simm.s32 $0x400;
	s15 =	simm.s32 $0x12500;
	s16 =	simm.s32 $0x4  }
0x7: {  	s17 =	simm.s32 $0x5;
	s18 =	simm.s32 $0x6;
	s19 =	simm.s32 $0x0  }
0x8: {  	s1 =	sand.u32 $0x1, s1;
	s2 =	sshll.u32 s10, $0x1;
	s6 =	smul.u32 $0x190, s10  }
0x9: {  	s3 =	sadd.s32 $0x400, s3;
	s24 =	smul.u32 $0xC8000, s10;
	s4 =	sor.u32 s1, s2  }
0xa: {  	s2 =	simm.s32 $0x0;
	s7 =	ssub.s32 $0x2, s1;
	s8 =	smul.u32 $0xC8, s1  }
0xb: {  	s4 =	smul.u32 $0xC80, s4;
	[smem:$0x7FF] =	sst s2;
	s9 =	sshrl.u32 s7, $0x1  }
0xc: {  	s1 =	smul.u32 $0x64000, s1;
	_ =	strace $0x80000047;
	s7 =	ssub.s32 s7, s9  }
0xd: {  	s8 =	sadd.s32 s8, s6;
	s4 =	sadd.s32 s0, s4;
	s22 =	smax.u32 s7, $0x1  }
0xe: {  	s23 =	sshll.u32 s8, $0x4;
	s8 =	sshll.u32 s8, $0xB;
	[dreg:$0x4] =	wrdreg s4  }
0xf: {  	s4 =	sadd.s32 $0x50, s4;
	[dreg:$0x6] =	wrdreg s22;
	s0 =	sadd.s32 s0, s23  }
0x10: {  	s25 =	sadd.s32 s8, s5;
	s5 =	sadd.s32 s24, s5;
	s22 =	simm.s32 $0x3  }
0x11: {  	s23 =	simm.s32 $0x40;
	s24 =	simm.s32 $0x2;
	[dreg:$0x5] =	wrdreg s4  }
0x12: {  	s7 =	sadd.s32 $0xF0, s0;
	s8 =	sadd.s32 $0xA0, s0;
	s26 =	sadd.s32 $0x2800, s25  }
0x13: {  	s20 =	sadd.s32 s1, s5;
	s25 =	simm.s32 $0xA500;
	s1 =	simm.s32 $0x10500  }
0x14: {  	s0 =	simm.s32 $0x480;
	[dreg:$0x7] =	wrdreg s26;
	s26 =	simm.s32 $0x300  }
.LBB2_1:
0x15: {  	s4 =	rddreg [dreg:$0x4]  }
0x16: {  	[tilespmem:s2], [sflag:$0x1] =	stream.linear.gather [hbm4b:s4+s2], $0x280, $0x38;
	[tilespmem:$0x14500] =	vst v63  }
0x17: {  	s9 =	rddreg [dreg:$0x5]  }
0x18: {  	[tilespmem:s11], [sflag:$0x2] =	stream.linear.gather [hbm4b:s9+s2], $0x280, $0x38;
	[tilespmem:$0x14500] =	vst v63  }
0x19: {  	_ =	swait.ge [sflag:s12], $0x280  }
0x1a: {  	[sflag:s12] =	ssyncset.done $0x0  }
0x1b: {  	[sflag:s12] =	ssyncadd.s32 $0xFFFFFD80  }
0x1c: {  	[tilespmem:s14], [sflag:$0x3] =	stream.indirect.gather [hbm4b:s3+s13], $0x40, s2, s13, $0xb8;
	[tilespmem:$0x14500] =	vst v63  }
0x1d: {  	s10 =	simm.s32 $0x2500  }
0x1e: {  	[tilespmem:s10], [sflag:$0x3] =	stream.indirect.gather [hbm4b:s3+s13], $0x40, s13, s13, $0xb8;
	[tilespmem:$0x14500] =	vst v63  }
0x1f: {  	s21 =	simm.s32 $0x100;
	s5 =	simm.s32 $0x4500  }
0x20: {  	[tilespmem:s5], [sflag:$0x3] =	stream.indirect.gather [hbm4b:s3+s13], $0x40, s21, s13, $0xb8;
	[tilespmem:$0x14500] =	vst v63  }
0x21: {  	s6 =	simm.s32 $0x180;
	s9 =	simm.s32 $0x6500  }
0x22: {  	[tilespmem:s9], [sflag:$0x3] =	stream.indirect.gather [hbm4b:s3+s13], $0x40, s6, s13, $0xb8;
	[tilespmem:$0x14500] =	vst v63  }
0x23: {  	s10 =	simm.s32 $0x200;
	s21 =	simm.s32 $0x8500  }
0x24: {  	[tilespmem:s21], [sflag:$0x3] =	stream.indirect.gather [hbm4b:s3+s13], $0x40, s10, s13, $0xb8;
	[tilespmem:$0x14500] =	vst v63  }
0x25: {  	s5 =	simm.s32 $0x0;
	s9 =	rddreg [dreg:$0x7];
	s10 =	smov.u32 s20  }
.LBB2_2:
0x26: {  	_ =	swait.ge [sflag:s22], $0x2000  }
0x27: {  	[sflag:s22] =	ssyncset.done $0x0  }
0x28: {  	[sflag:s22] =	ssyncadd.s32 $0xFFFFE000  }
0x29: {  	_ =	swait.ge [sflag:s22], $0x2000  }
0x2a: {  	[sflag:s22] =	ssyncset.done $0x0  }
0x2b: {  	[sflag:s22] =	ssyncadd.s32 $0xFFFFE000  }
0x2c: {  	_ =	swait.ge [sflag:s22], $0x2000  }
0x2d: {  	[sflag:s22] =	ssyncset.done $0x0  }
0x2e: {  	[sflag:s22] =	ssyncadd.s32 $0xFFFFE000  }
0x2f: {  	_ =	swait.ge [sflag:s22], $0x2000  }
0x30: {  	[sflag:s22] =	ssyncset.done $0x0  }
0x31: {  	[sflag:s22] =	ssyncadd.s32 $0xFFFFE000  }
0x32: {  	_ =	swait.ge [sflag:s22], $0x2000  }
0x33: {  	[sflag:s22] =	ssyncset.done $0x0  }
0x34: {  	[sflag:s22] =	ssyncadd.s32 $0xFFFFE000  }
0x35: {  	[hbm4b:s10+s23] =	stream.strided.scatter [tilespmem:s14], [sflag:$0x5], $0xA000, s13, s23, $0x38;
	[tilespmem:$0x14500] =	vst v63  }
0x36: {  	_ =	swait.ge [sflag:s24], $0x280  }
0x37: {  	p0 =	seq.s32 s5, $0x0;
	[sflag:s24] =	ssyncset.done $0x0  }
0x38: {  	s6 =	simm.s32 @!p0 $0x6;
	[sflag:s24] =	ssyncadd.s32 $0xFFFFFD80  }
0x39: {  	p1 =	seq.s32 @!p0 s5, $0xBE0;
	_ =	swait.ge @!p0 [sflag:s6], $0xA000  }
0x3a: {  	p1 =	por p0, !p1;
	[sflag:s6] =	ssyncset.done @!p0 $0x0  }
0x3b: {  	[sflag:s6] =	ssyncadd.s32 @!p0 $0xFFFF6000;
	s6 =	sadd.s32 @p1 s5, s8  }
0x3c: {  	[tilespmem:s2], [sflag:$0x1] =	stream.linear.gather @p1 [hbm4b:s6+s2], $0x280, $0x38;
	[tilespmem:$0x14500] =	vst v63  }
0x3d: {  	_ = 	snop  }
0x3e: {  	[tilespmem:s25], [sflag:$0x4] =	stream.indirect.gather [hbm4b:s3+s13], $0x40, s11, s13, $0xb8;
	[tilespmem:$0x14500] =	vst v63  }
0x3f: {  	_ = 	snop  }
0x40: {  	[tilespmem:s28], [sflag:$0x4] =	stream.indirect.gather [hbm4b:s3+s13], $0x40, s26, s13, $0xb8;
	[tilespmem:$0x14500] =	vst v63  }
0x41: {  	_ = 	snop  }
0x42: {  	[tilespmem:s30], [sflag:$0x4] =	stream.indirect.gather [hbm4b:s3+s13], $0x40, s29, s13, $0xb8;
	[tilespmem:$0x14500] =	vst v63  }
0x43: {  	_ = 	snop  }
0x44: {  	[tilespmem:s1], [sflag:$0x4] =	stream.indirect.gather [hbm4b:s3+s13], $0x40, s31, s13, $0xb8;
	[tilespmem:$0x14500] =	vst v63  }
0x45: {  	_ = 	snop  }
0x46: {  	[tilespmem:s15], [sflag:$0x4] =	stream.indirect.gather [hbm4b:s3+s13], $0x40, s0, s13, $0xb8;
	[tilespmem:$0x14500] =	vst v63  }
0x47: {  	_ =	swait.ge [sflag:s16], $0x2000  }
0x48: {  	[sflag:s16] =	ssyncset.done $0x0  }
0x49: {  	[sflag:s16] =	ssyncadd.s32 $0xFFFFE000  }
0x4a: {  	_ =	swait.ge [sflag:s16], $0x2000  }
0x4b: {  	[sflag:s16] =	ssyncset.done $0x0  }
0x4c: {  	[sflag:s16] =	ssyncadd.s32 $0xFFFFE000  }
0x4d: {  	_ =	swait.ge [sflag:s16], $0x2000  }
0x4e: {  	[sflag:s16] =	ssyncset.done $0x0  }
0x4f: {  	[sflag:s16] =	ssyncadd.s32 $0xFFFFE000  }
0x50: {  	_ =	swait.ge [sflag:s16], $0x2000  }
0x51: {  	[sflag:s16] =	ssyncset.done $0x0  }
0x52: {  	[sflag:s16] =	ssyncadd.s32 $0xFFFFE000  }
0x53: {  	p0 =	por @!p0 $0x1, $0x1;
	_ =	swait.ge [sflag:s16], $0x2000  }
0x54: {  	p0 =	por @p1 $0x0, $0x0;
	[sflag:s16] =	ssyncset.done $0x0  }
0x55: {  	s6 =	simm.s32 @!p0 $0x1;
	[sflag:s16] =	ssyncadd.s32 $0xFFFFE000  }
0x56: {  	[hbm4b:s9+s23] =	stream.strided.scatter [tilespmem:s25], [sflag:$0x6], $0xA000, s13, s23, $0x38;
	[tilespmem:$0x14500] =	vst v63  }
0x57: {  	_ =	swait.ge @!p0 [sflag:s6], $0x280  }
0x58: {  	[sflag:s6] =	ssyncset.done @!p0 $0x0  }
0x59: {  	[sflag:s6] =	ssyncadd.s32 @!p0 $0xFFFFFD80;
	s6 =	simm.s32 @!p0 $0x5  }
0x5a: {  	_ =	swait.ge @!p0 [sflag:s6], $0xA000  }
0x5b: {  	s4 =	simm.s32 @!p0 $0x0;
	[sflag:s6] =	ssyncset.done @!p0 $0x0  }
0x5c: {  	s21 =	simm.s32 @!p0 $0x280;
	[sflag:s6] =	ssyncadd.s32 @!p0 $0xFFFF6000;
	s6 =	sadd.s32 @!p0 s5, s7  }
0x5d: {  	[tilespmem:s21], [sflag:$0x2] =	stream.linear.gather @!p0 [hbm4b:s6+s4], $0x280, $0x38;
	[tilespmem:$0x14500] =	vst v63  }
0x5e: {  	s6 =	simm.s32 @!p0 $0x80;
	s21 =	simm.s32 @!p0 $0x500  }
0x5f: {  	[tilespmem:s21], [sflag:$0x3] =	stream.indirect.gather @!p0 [hbm4b:s3+s6], $0x40, s4, s6, $0xb8;
	[tilespmem:$0x14500] =	vst v63  }
0x60: {  	s4 =	simm.s32 @!p0 $0x2500  }
0x61: {  	[tilespmem:s4], [sflag:$0x3] =	stream.indirect.gather @!p0 [hbm4b:s3+s6], $0x40, s6, s6, $0xb8;
	[tilespmem:$0x14500] =	vst v63  }
0x62: {  	s21 =	simm.s32 @!p0 $0x4500;
	s4 =	simm.s32 @!p0 $0x100  }
0x63: {  	[tilespmem:s21], [sflag:$0x3] =	stream.indirect.gather @!p0 [hbm4b:s3+s6], $0x40, s4, s6, $0xb8;
	[tilespmem:$0x14500] =	vst v63  }
0x64: {  	s4 =	simm.s32 @!p0 $0x180;
	s21 =	simm.s32 @!p0 $0x6500  }
0x65: {  	[tilespmem:s21], [sflag:$0x3] =	stream.indirect.gather @!p0 [hbm4b:s3+s6], $0x40, s4, s6, $0xb8;
	[tilespmem:$0x14500] =	vst v63  }
0x66: {  	s5 =	sadd.s32 $0xA0, s5;
	s4 =	simm.s32 @!p0 $0x200;
	s21 =	simm.s32 @!p0 $0x8500  }
0x67: {  	[tilespmem:s21], [sflag:$0x3] =	stream.indirect.gather @!p0 [hbm4b:s3+s6], $0x40, s4, s6, $0xb8;
	[tilespmem:$0x14500] =	vst v63  }
0x68: {  	p0 =	sne.s32 s5, $0xC80  }
.Ltmp0:
0x69: {  	_ = 	snop;
	(pc) =	sbr.rel @p0 .LBB2_2-.Ltmp0, $2  }
0x6a: {  	_ =	sdelay $0x2  }
0x6b: {  	s10 =	sadd.s32 $0x5000, s10;
	s9 =	sadd.s32 $0x5000, s9  }
0x6c: {  	_ =	swait.ge [sflag:s17], $0xA000  }
0x6d: {  	[sflag:s17] =	ssyncset.done $0x0  }
0x6e: {  	[sflag:s17] =	ssyncadd.s32 $0xFFFF6000  }
0x6f: {  	_ =	swait.ge [sflag:s18], $0xA000  }
0x70: {  	s19 =	sadd.s32 $0x1, s19;
	s4 =	rddreg [dreg:$0x6]  }
0x71: {  	p0 =	sne.s32 s19, s4  }
.Ltmp1:
0x72: {  	_ = 	snop;
	(pc) =	sbr.rel @p0 .LBB2_1-.Ltmp1, $3  }
0x73: {  	_ =	sdelay $0x1  }
0x74: {  	[sflag:s18] =	ssyncset.done $0x0  }
0x75: {  	[sflag:s18] =	ssyncadd.s32 $0xFFFF6000  }
0x76: {  	_ =	sfence.sel $0x180000  }
0x77: {  	[bflag:$0x0] =	sbarrier.arrive $0xFFFF  }
0x78: {  	_ =	strace $0x90000047  }
0x79: {  	s0 =	stileid.u32;
	[bflag:$0x2] =	sbarrier.arrive $0xFFFF  }
0x7a: {  	p0 =	sne.s32 s0, $0x0;
	s0 =	rddreg [dreg:$0x3]  }
0x7b: {  	s0 =	sadd.s32 @!p0 $0x100000, s0  }
0x7c: {  	[sflag:s0] =	ssyncadd.tile.s32 @!p0 $0x1;
	_ =	shalt  }
.Lfunc_end2:
_tile_overlayer_lowered:
.L_overlay_start_2:
0x7d: {  	(tag) =	ssettag $0x2  }
0x7e: {  	s0 =	rddreg [dreg:$0x0];
	s2 =	stileid.u32  }
0x7f: {  	s1 =	rddreg [dreg:$0x1];
	p0 =	sne.s32 s2, $0x0  }
0x80: {  	s3 =	rddreg [dreg:$0x2];
	[bflag:$0x3] =	sbarrier.arrive $0xFFFF;
	s2 =	simm.s32 @!p0 $0x1C07  }
0x81: {  	[timem:s3], [sflag:s2] =	dma.local @!p0 [hbm:s0], s1  }
0x82: {  	s0 =	simm.s32 @!p0 $0x7  }
0x83: {  	_ =	swait.ge @!p0 [sflag:s0], s1  }
0x84: {  	s1 =	ssub.s32 @!p0 $0x0, s1;
	[sflag:s0] =	ssyncset.done @!p0 $0x0  }
0x85: {  	[sflag:s0] =	ssyncadd.s32 @!p0 s1  }
0x86: {  	[bflag:$0x3] =	sbarrier.arrive $0xFFFF  }
0x87: {  	_ =	shalt  }

</sc_bundles>
